<compile_context>
chip_gen: v7x
topology: tpu7x:2x2x1
jax: 0.10.2.dev20260603
libtpu: 0.0.44.dev20260713+nightly
codegen_flags: <defaults>
</compile_context>

<pallas_src>
import functools

import jax
import jax.numpy as jnp
from jax import lax
from jax.experimental import pallas as pl
from jax.experimental.pallas import tpu as pltpu
from jax.experimental.pallas import tpu_sc as plsc

_LAT_MIN, _LAT_MAX = -90.0, 90.0
_LON_MIN, _LON_MAX = -180.0, 180.0
_LAT_MEAN, _LAT_STD = 0.0, 1.0
_LON_MEAN, _LON_STD = 0.0, 1.0
_BINS = 100
_D = 128

_NC, _NS, _L = 2, 16, 16
_NW = _NC * _NS

_CROWS = 128
_NBUF = 6


@functools.partial(jax.jit, static_argnums=(1,))
def _sc_run(packed, batch):
    pairs_per_w = batch // _NW
    rows_per_w = 2 * pairs_per_w
    chunks = rows_per_w // _CROWS
    vecs_per_chunk = _CROWS // _L
    crs_rows_per_w = 2 * pairs_per_w // _D
    crs_rows = 2 * batch // _D
    seg = _BINS + 4
    lat_row0 = crs_rows
    lon_row0 = crs_rows + seg
    edge_row0 = crs_rows + 2 * seg

    def body(packed_hbm, out_hbm, crs_v, edges_v, idx_v, buf_v, tbl_sp,
             ssems, gsems, wsems):
        cid = lax.axis_index("c")
        sid = lax.axis_index("s")
        wid = sid * _NC + cid
        rbase = wid * rows_per_w

        @pl.when(sid == 0)
        def _stage_lat():
            pltpu.async_copy(packed_hbm.at[pl.ds(lat_row0, seg)],
                             tbl_sp.at[pl.ds(0, seg)], ssems[0])

        @pl.when(sid == 1)
        def _stage_lon():
            pltpu.async_copy(packed_hbm.at[pl.ds(lon_row0, seg)],
                             tbl_sp.at[pl.ds(seg, seg)], ssems[0])

        ccrs = pltpu.async_copy(
            packed_hbm.at[pl.ds(wid * crs_rows_per_w, crs_rows_per_w)],
            crs_v, ssems[1])
        cedg = pltpu.async_copy(packed_hbm.at[pl.ds(edge_row0, 8)],
                                edges_v, ssems[2])
        ccrs.wait()
        cedg.wait()

        lane = lax.iota(jnp.int32, _L)
        parity = lane & 1
        perm = lane ^ 1
        meanv = jnp.where(parity == 0, _LAT_MEAN, _LON_MEAN).astype(jnp.float32)
        inv_stdv = jnp.where(parity == 0, 1.0 / _LAT_STD,
                             1.0 / _LON_STD).astype(jnp.float32)
        minv = jnp.where(parity == 0, _LAT_MIN, _LON_MIN).astype(jnp.float32)
        inv_stepv = jnp.where(
            parity == 0,
            (_BINS - 2) / (_LAT_MAX - _LAT_MIN),
            (_BINS - 2) / (_LON_MAX - _LON_MIN),
        ).astype(jnp.float32)
        toff = parity * seg

        def compute(j, carry):
            flat = j * _L + perm
            x = plsc.load_gather(crs_v, [flat >> 7, flat & 127])
            x = (x - meanv) * inv_stdv
            q = (x - minv) * inv_stepv
            g = jnp.clip(q.astype(jnp.int32) + 1, 0, _BINS - 1)
            lo = plsc.load_gather(edges_v, [parity, jnp.maximum(g - 1, 0)])
            hi = plsc.load_gather(edges_v, [parity, jnp.minimum(g, _BINS - 2)])
            dec = ((g >= 1) & (x < lo)).astype(jnp.int32)
            inc = ((g <= _BINS - 2) & (x >= hi)).astype(jnp.int32)
            t = g - dec + inc + toff
            idx_v[j // vecs_per_chunk, pl.ds((j % vecs_per_chunk) * _L, _L)] = t
            return carry

        lax.fori_loop(0, chunks * vecs_per_chunk, compute, 0)

        @pl.when(sid < 2)
        def _wait_table():
            pltpu.make_async_copy(packed_hbm.at[pl.ds(lat_row0, seg)],
                                  tbl_sp.at[pl.ds(0, seg)], ssems[0]).wait()

        plsc.subcore_barrier()

        def start_gather(k):
            return pltpu.async_copy(tbl_sp.at[idx_v.at[k]],
                                    buf_v.at[k % _NBUF], gsems[k % _NBUF])

        def start_write(k):
            return pltpu.async_copy(buf_v.at[k % _NBUF],
                                    out_hbm.at[pl.ds(rbase + k * _CROWS, _CROWS)],
                                    wsems[k % _NBUF])

        gc = {k: start_gather(k) for k in range(min(_NBUF, chunks))}
        wc = {}
        for k in range(chunks):
            gc[k].wait()
            wc[k] = start_write(k)
            nk = k + _NBUF
            if nk < chunks:
                wc[k].wait()
                gc[nk] = start_gather(nk)
        for k in range(max(0, chunks - _NBUF), chunks):
            wc[k].wait()

    grid_kernel = pl.kernel(
        body,
        out_type=jax.ShapeDtypeStruct((2 * batch, _D), jnp.float32),
        mesh=plsc.VectorSubcoreMesh(core_axis_name="c", subcore_axis_name="s",
                                    num_cores=_NC),
        compiler_params=pltpu.CompilerParams(needs_layout_passes=False),
        scratch_types=[
            pltpu.VMEM((2 * (batch // _NW) // _D, _D), jnp.float32),
            pltpu.VMEM((8, _D), jnp.float32),
            pltpu.VMEM((2 * (batch // _NW) // _CROWS, _CROWS), jnp.int32),
            pltpu.VMEM((_NBUF, _CROWS, _D), jnp.float32),
            pltpu.VMEM_SHARED((2 * (_BINS + 4), _D), jnp.float32),
            [pltpu.SemaphoreType.DMA] * 3,
            [pltpu.SemaphoreType.DMA] * _NBUF,
            [pltpu.SemaphoreType.DMA] * _NBUF,
        ],
    )
    return grid_kernel(packed)


def kernel(crs, lat_table, lon_table):
    batch = crs.shape[0]
    assert batch % (_NW * _CROWS // 2) == 0 and (2 * batch) % _D == 0
    lat_edges = jnp.linspace(_LAT_MIN, _LAT_MAX, _BINS - 1)
    lon_edges = jnp.linspace(_LON_MIN, _LON_MAX, _BINS - 1)
    edge_rows = jnp.zeros((2, _D), jnp.float32) \
        .at[0, :_BINS - 1].set(lat_edges) \
        .at[1, :_BINS - 1].set(lon_edges)
    pad4 = jnp.zeros((4, _D), jnp.float32)
    pad6 = jnp.zeros((6, _D), jnp.float32)
    packed = jnp.concatenate(
        [crs.reshape(2 * batch // _D, _D), lat_table, pad4, lon_table, pad4,
         edge_rows, pad6], axis=0)
    out = _sc_run(packed, batch)
    return out.reshape(batch, 2 * _D)

# --- scband reference (transcript-rebuilt; emitter-appended) ---
"""Pipeline reference for scband-coordinate-preprocessor-56788057587777 (READ-ONLY COPY).

The authoritative reference and input builder live on the scoring server;
editing this copy changes nothing except your own understanding.
"""

import jax, jax.numpy as jnp
import numpy as np

# Globals that the original torch module references implicitly (undefined in source);
# we pin them to natural geographic values / identity standardization.
LAT_MIN, LAT_MAX = -90.0, 90.0
LON_MIN, LON_MAX = -180.0, 180.0
LAT_MEAN, LAT_STD = 0.0, 1.0
LON_MEAN, LON_STD = 0.0, 1.0
BINS = 100
EMBED_DIM = 128
BATCH = 16384


def setup_inputs(seed: int = 0) -> dict:
    key = jax.random.key(seed)
    k1, k2, k3 = jax.random.split(key, 3)
    crs = jax.random.uniform(k1, (BATCH, 2), dtype=jnp.float32)  # [:,0]=lon, [:,1]=lat
    lat_table = jax.random.normal(k2, (BINS, EMBED_DIM), dtype=jnp.float32) * 0.02
    lon_table = jax.random.normal(k3, (BINS, EMBED_DIM), dtype=jnp.float32) * 0.02
    return {"crs": crs, "lat_table": lat_table, "lon_table": lon_table}


def reference(crs, lat_table, lon_table):
    # CoordinatePreprocessor.forward: split crs into lon/lat and standardize
    lon = crs[:, 0]
    lat = crs[:, 1]
    lat = (lat - LAT_MEAN) / LAT_STD
    lon = (lon - LON_MEAN) / LON_STD
    # input_fn: bucketize into 100 bins via digitize over linspace edges
    lat_edges = jnp.linspace(LAT_MIN, LAT_MAX, BINS - 1)
    lon_edges = jnp.linspace(LON_MIN, LON_MAX, BINS - 1)
    lat_idx = jnp.digitize(lat, lat_edges)
    lon_idx = jnp.digitize(lon, lon_edges)
    # LatLongEmbedding: two embedding lookups + concat along last dim
    lat_emb = jnp.take(lat_table, lat_idx, axis=0)
    lon_emb = jnp.take(lon_table, lon_idx, axis=0)
    return jnp.concatenate([lat_emb, lon_emb], axis=-1)

if __name__ == "__main__":
    import jax
    _d = setup_inputs()
    print(jax.jit(kernel)(*tuple(_d.values())))

</pallas_src>

<mosaic_0001>
#map = affine_map<(d0, d1) -> (0, 0)>
module attributes {stable_mosaic.version = 14 : i64} {
  func.func @body(%arg0: i32, %arg1: i32, %arg2: memref<472x128xf32, #tpu.memory_space<hbm>>, %arg3: memref<32768x128xf32, #tpu.memory_space<hbm>>, %arg4: memref<8x128xf32, #tpu.memory_space<vmem>>, %arg5: memref<8x128xf32, #tpu.memory_space<vmem>>, %arg6: memref<8x128xi32, #tpu.memory_space<vmem>>, %arg7: memref<6x128x128xf32, #tpu.memory_space<vmem>>, %arg8: memref<208x128xf32, #tpu.memory_space<vmem_shared>>, %arg9: memref<!tpu.dma_semaphore, #tpu.memory_space<semaphore_mem>>, %arg10: memref<!tpu.dma_semaphore, #tpu.memory_space<semaphore_mem>>, %arg11: memref<!tpu.dma_semaphore, #tpu.memory_space<semaphore_mem>>, %arg12: memref<!tpu.dma_semaphore, #tpu.memory_space<semaphore_mem>>, %arg13: memref<!tpu.dma_semaphore, #tpu.memory_space<semaphore_mem>>, %arg14: memref<!tpu.dma_semaphore, #tpu.memory_space<semaphore_mem>>, %arg15: memref<!tpu.dma_semaphore, #tpu.memory_space<semaphore_mem>>, %arg16: memref<!tpu.dma_semaphore, #tpu.memory_space<semaphore_mem>>, %arg17: memref<!tpu.dma_semaphore, #tpu.memory_space<semaphore_mem>>, %arg18: memref<!tpu.dma_semaphore, #tpu.memory_space<semaphore_mem>>, %arg19: memref<!tpu.dma_semaphore, #tpu.memory_space<semaphore_mem>>, %arg20: memref<!tpu.dma_semaphore, #tpu.memory_space<semaphore_mem>>, %arg21: memref<!tpu.dma_semaphore, #tpu.memory_space<semaphore_mem>>, %arg22: memref<!tpu.dma_semaphore, #tpu.memory_space<semaphore_mem>>, %arg23: memref<!tpu.dma_semaphore, #tpu.memory_space<semaphore_mem>>) attributes {dimension_semantics = [#tpu.dimension_semantics<core_parallel>, #tpu.dimension_semantics<subcore_parallel>], iteration_bounds = array<i64: 2, 16>, scalar_prefetch = 0 : i64, scratch_operands = 20 : i64, tpu.core_type = #tpu.core_type<sc_vector_subcore>, window_params = [{transform_indices = #map}, {transform_indices = #map}]} {
    %mul3A = arith.constant 2 : i32
    %mul3A_0 = arith.muli %arg1, %mul3A : i32
    %add3A = arith.addi %mul3A_0, %arg0 : i32
    %mul3A_1 = arith.constant 1024 : i32
    %mul3A_2 = arith.muli %add3A, %mul3A_1 : i32
    %eq3A = arith.constant 0 : i32
    %eq3A_3 = arith.cmpi eq, %arg1, %eq3A : i32
    %convert_element_type3A = arith.extui %eq3A_3 : i1 to i32
    %cond3A = arith.constant 0 : i32
    %cond3A_4 = arith.cmpi ne, %convert_element_type3A, %cond3A : i32
    scf.if %cond3A_4 {
      %dma_start3A_491 = arith.constant 0 : i32
      %dma_start3A_492 = arith.constant 0 : i32
      %dma_start3A_493 = tpu.memref_slice %arg8[%dma_start3A_491, %dma_start3A_492] : memref<208x128xf32, #tpu.memory_space<vmem_shared>> -> memref<104x128xf32, #tpu.memory_space<vmem_shared>>
      %dma_start3A_494 = arith.constant 256 : i32
      %dma_start3A_495 = arith.constant 0 : i32
      %dma_start3A_496 = tpu.memref_slice %arg2[%dma_start3A_494, %dma_start3A_495] : memref<472x128xf32, #tpu.memory_space<hbm>> -> memref<104x128xf32, #tpu.memory_space<hbm>>
      tpu.enqueue_dma source(%dma_start3A_496 : memref<104x128xf32, #tpu.memory_space<hbm>>) target(%dma_start3A_493 : memref<104x128xf32, #tpu.memory_space<vmem_shared>>) target_semaphore(%arg9 : memref<!tpu.dma_semaphore, #tpu.memory_space<semaphore_mem>>)
    } else {
    }
    %eq3A_5 = arith.constant 1 : i32
    %eq3A_6 = arith.cmpi eq, %arg1, %eq3A_5 : i32
    %convert_element_type3A_7 = arith.extui %eq3A_6 : i1 to i32
    %cond3A_8 = arith.constant 0 : i32
    %cond3A_9 = arith.cmpi ne, %convert_element_type3A_7, %cond3A_8 : i32
    scf.if %cond3A_9 {
      %dma_start3A_491 = arith.constant 104 : i32
      %dma_start3A_492 = arith.constant 0 : i32
      %dma_start3A_493 = tpu.memref_slice %arg8[%dma_start3A_491, %dma_start3A_492] : memref<208x128xf32, #tpu.memory_space<vmem_shared>> -> memref<104x128xf32, #tpu.memory_space<vmem_shared>>
      %dma_start3A_494 = arith.constant 360 : i32
      %dma_start3A_495 = arith.constant 0 : i32
      %dma_start3A_496 = tpu.memref_slice %arg2[%dma_start3A_494, %dma_start3A_495] : memref<472x128xf32, #tpu.memory_space<hbm>> -> memref<104x128xf32, #tpu.memory_space<hbm>>
      tpu.enqueue_dma source(%dma_start3A_496 : memref<104x128xf32, #tpu.memory_space<hbm>>) target(%dma_start3A_493 : memref<104x128xf32, #tpu.memory_space<vmem_shared>>) target_semaphore(%arg9 : memref<!tpu.dma_semaphore, #tpu.memory_space<semaphore_mem>>)
    } else {
    }
    %mul3A_10 = arith.constant 8 : i32
    %mul3A_11 = arith.muli %add3A, %mul3A_10 : i32
    %dma_start3A = arith.constant 0 : i32
    %dma_start3A_12 = tpu.memref_slice %arg2[%mul3A_11, %dma_start3A] : memref<472x128xf32, #tpu.memory_space<hbm>> -> memref<8x128xf32, #tpu.memory_space<hbm>>
    %dma_start3A_13 = arith.constant 0 : i32
    %dma_start3A_14 = tpu.memref_slice %arg2[%mul3A_11, %dma_start3A_13] : memref<472x128xf32, #tpu.memory_space<hbm>> -> memref<8x128xf32, #tpu.memory_space<hbm>>
    tpu.enqueue_dma source(%dma_start3A_14 : memref<8x128xf32, #tpu.memory_space<hbm>>) target(%arg4 : memref<8x128xf32, #tpu.memory_space<vmem>>) target_semaphore(%arg10 : memref<!tpu.dma_semaphore, #tpu.memory_space<semaphore_mem>>)
    %dma_start3A_15 = arith.constant 464 : i32
    %dma_start3A_16 = arith.constant 0 : i32
    %dma_start3A_17 = tpu.memref_slice %arg2[%dma_start3A_15, %dma_start3A_16] : memref<472x128xf32, #tpu.memory_space<hbm>> -> memref<8x128xf32, #tpu.memory_space<hbm>>
    %dma_start3A_18 = arith.constant 464 : i32
    %dma_start3A_19 = arith.constant 0 : i32
    %dma_start3A_20 = tpu.memref_slice %arg2[%dma_start3A_18, %dma_start3A_19] : memref<472x128xf32, #tpu.memory_space<hbm>> -> memref<8x128xf32, #tpu.memory_space<hbm>>
    tpu.enqueue_dma source(%dma_start3A_20 : memref<8x128xf32, #tpu.memory_space<hbm>>) target(%arg5 : memref<8x128xf32, #tpu.memory_space<vmem>>) target_semaphore(%arg11 : memref<!tpu.dma_semaphore, #tpu.memory_space<semaphore_mem>>)
    %dma_wait3A = arith.constant 0 : i32
    %dma_wait3A_21 = tpu.memref_slice %arg2[%mul3A_11, %dma_wait3A] : memref<472x128xf32, #tpu.memory_space<hbm>> -> memref<8x128xf32, #tpu.memory_space<hbm>>
    %dma_wait3A_22 = arith.constant 0 : i32
    %dma_wait3A_23 = tpu.memref_slice %arg2[%mul3A_11, %dma_wait3A_22] : memref<472x128xf32, #tpu.memory_space<hbm>> -> memref<8x128xf32, #tpu.memory_space<hbm>>
    tpu.wait_dma2 semaphore(%arg10 : memref<!tpu.dma_semaphore, #tpu.memory_space<semaphore_mem>>) src(%dma_wait3A_23 : memref<8x128xf32, #tpu.memory_space<hbm>>) dst(%arg4 : memref<8x128xf32, #tpu.memory_space<vmem>>)
    %dma_wait3A_24 = arith.constant 464 : i32
    %dma_wait3A_25 = arith.constant 0 : i32
    %dma_wait3A_26 = tpu.memref_slice %arg2[%dma_wait3A_24, %dma_wait3A_25] : memref<472x128xf32, #tpu.memory_space<hbm>> -> memref<8x128xf32, #tpu.memory_space<hbm>>
    %dma_wait3A_27 = arith.constant 464 : i32
    %dma_wait3A_28 = arith.constant 0 : i32
    %dma_wait3A_29 = tpu.memref_slice %arg2[%dma_wait3A_27, %dma_wait3A_28] : memref<472x128xf32, #tpu.memory_space<hbm>> -> memref<8x128xf32, #tpu.memory_space<hbm>>
    tpu.wait_dma2 semaphore(%arg11 : memref<!tpu.dma_semaphore, #tpu.memory_space<semaphore_mem>>) src(%dma_wait3A_29 : memref<8x128xf32, #tpu.memory_space<hbm>>) dst(%arg5 : memref<8x128xf32, #tpu.memory_space<vmem>>)
    %iota3A = tpu.iota {dimensions = array<i32: 0>} : vector<16xi32>
    %and3A = arith.constant 1 : i32
    %and3A_30 = vector.broadcast %and3A : i32 to vector<16xi32>
    %and3A_31 = arith.andi %iota3A, %and3A_30 : vector<16xi32>
    %xor3A = arith.constant 1 : i32
    %xor3A_32 = vector.broadcast %xor3A : i32 to vector<16xi32>
    %xor3A_33 = arith.xori %iota3A, %xor3A_32 : vector<16xi32>
    %eq3A_34 = arith.constant 0 : i32
    %eq3A_35 = vector.broadcast %eq3A_34 : i32 to vector<16xi32>
    %eq3A_36 = arith.cmpi eq, %and3A_31, %eq3A_35 : vector<16xi32>
    %jit3A = arith.constant 0.000000e+00 : f32
    %jit3A_37 = arith.constant 0.000000e+00 : f32
    %broadcast_in_dim3A = vector.broadcast %jit3A : f32 to vector<16xf32>
    %broadcast_in_dim3A_38 = vector.broadcast %jit3A_37 : f32 to vector<16xf32>
    %select_n3A = arith.select %eq3A_36, %broadcast_in_dim3A, %broadcast_in_dim3A_38 : vector<16xi1>, vector<16xf32>
    %eq3A_39 = arith.constant 0 : i32
    %eq3A_40 = vector.broadcast %eq3A_39 : i32 to vector<16xi32>
    %eq3A_41 = arith.cmpi eq, %and3A_31, %eq3A_40 : vector<16xi32>
    %jit3A_42 = arith.constant 1.000000e+00 : f32
    %jit3A_43 = arith.constant 1.000000e+00 : f32
    %broadcast_in_dim3A_44 = vector.broadcast %jit3A_42 : f32 to vector<16xf32>
    %broadcast_in_dim3A_45 = vector.broadcast %jit3A_43 : f32 to vector<16xf32>
    %select_n3A_46 = arith.select %eq3A_41, %broadcast_in_dim3A_44, %broadcast_in_dim3A_45 : vector<16xi1>, vector<16xf32>
    %eq3A_47 = arith.constant 0 : i32
    %eq3A_48 = vector.broadcast %eq3A_47 : i32 to vector<16xi32>
    %eq3A_49 = arith.cmpi eq, %and3A_31, %eq3A_48 : vector<16xi32>
    %jit3A_50 = arith.constant -9.000000e+01 : f32
    %jit3A_51 = arith.constant -1.800000e+02 : f32
    %broadcast_in_dim3A_52 = vector.broadcast %jit3A_50 : f32 to vector<16xf32>
    %broadcast_in_dim3A_53 = vector.broadcast %jit3A_51 : f32 to vector<16xf32>
    %select_n3A_54 = arith.select %eq3A_49, %broadcast_in_dim3A_52, %broadcast_in_dim3A_53 : vector<16xi1>, vector<16xf32>
    %eq3A_55 = arith.constant 0 : i32
    %eq3A_56 = vector.broadcast %eq3A_55 : i32 to vector<16xi32>
    %eq3A_57 = arith.cmpi eq, %and3A_31, %eq3A_56 : vector<16xi32>
    %jit3A_58 = arith.constant 0.544444442 : f32
    %jit3A_59 = arith.constant 0.272222221 : f32
    %broadcast_in_dim3A_60 = vector.broadcast %jit3A_58 : f32 to vector<16xf32>
    %broadcast_in_dim3A_61 = vector.broadcast %jit3A_59 : f32 to vector<16xf32>
    %select_n3A_62 = arith.select %eq3A_57, %broadcast_in_dim3A_60, %broadcast_in_dim3A_61 : vector<16xi1>, vector<16xf32>
    %mul3A_63 = arith.constant 104 : i32
    %mul3A_64 = vector.broadcast %mul3A_63 : i32 to vector<16xi32>
    %mul3A_65 = arith.muli %and3A_31, %mul3A_64 : vector<16xi32>
    %scan3A = arith.constant 0 : i32
    %scan3A_66 = arith.constant 0 : i32
    %scan3A_67 = arith.constant 64 : i32
    %scan3A_68 = arith.addi %scan3A_66, %scan3A_67 : i32
    %scan3A_69 = arith.constant 1 : i32
    scf.for %scan3A_491 = %scan3A_66 to %scan3A_68 step %scan3A_69  : i32 {
      %mul3A_492 = arith.constant 16 : i32
      %mul3A_493 = arith.muli %scan3A_491, %mul3A_492 : i32
      %add3A_494 = vector.broadcast %mul3A_493 : i32 to vector<16xi32>
      %add3A_495 = arith.addi %add3A_494, %xor3A_33 : vector<16xi32>
      %shift_right_arithmetic3A = arith.constant 7 : i32
      %shift_right_arithmetic3A_496 = vector.broadcast %shift_right_arithmetic3A : i32 to vector<16xi32>
      %shift_right_arithmetic3A_497 = arith.shrsi %add3A_495, %shift_right_arithmetic3A_496 : vector<16xi32>
      %and3A_498 = arith.constant 127 : i32
      %and3A_499 = vector.broadcast %and3A_498 : i32 to vector<16xi32>
      %and3A_500 = arith.andi %add3A_495, %and3A_499 : vector<16xi32>
      %gather3A = tpu.vector_load_idx %arg4[%shift_right_arithmetic3A_497, %and3A_500] : memref<8x128xf32, #tpu.memory_space<vmem>>[vector<16xi32>, vector<16xi32>], vector<16xf32>,
      %sub3A = arith.subf %gather3A, %select_n3A : vector<16xf32>
      %mul3A_501 = arith.mulf %sub3A, %select_n3A_46 : vector<16xf32>
      %sub3A_502 = arith.subf %mul3A_501, %select_n3A_54 : vector<16xf32>
      %mul3A_503 = arith.mulf %sub3A_502, %select_n3A_62 : vector<16xf32>
      %convert_element_type3A_504 = arith.fptosi %mul3A_503 : vector<16xf32> to vector<16xi32>
      %add3A_505 = arith.constant 1 : i32
      %add3A_506 = vector.broadcast %add3A_505 : i32 to vector<16xi32>
      %add3A_507 = arith.addi %convert_element_type3A_504, %add3A_506 : vector<16xi32>
      %jit3A_508 = arith.constant 0 : i32
      %jit3A_509 = arith.constant 99 : i32
      %max3A = vector.broadcast %jit3A_508 : i32 to vector<16xi32>
      %max3A_510 = arith.maxsi %max3A, %add3A_507 : vector<16xi32>
      %min3A = vector.broadcast %jit3A_509 : i32 to vector<16xi32>
      %min3A_511 = arith.minsi %min3A, %max3A_510 : vector<16xi32>
      %sub3A_512 = arith.constant 1 : i32
      %sub3A_513 = vector.broadcast %sub3A_512 : i32 to vector<16xi32>
      %sub3A_514 = arith.subi %min3A_511, %sub3A_513 : vector<16xi32>
      %max3A_515 = arith.constant 0 : i32
      %max3A_516 = vector.broadcast %max3A_515 : i32 to vector<16xi32>
      %max3A_517 = arith.maxsi %sub3A_514, %max3A_516 : vector<16xi32>
      %gather3A_518 = tpu.vector_load_idx %arg5[%and3A_31, %max3A_517] : memref<8x128xf32, #tpu.memory_space<vmem>>[vector<16xi32>, vector<16xi32>], vector<16xf32>,
      %min3A_519 = arith.constant 98 : i32
      %min3A_520 = vector.broadcast %min3A_519 : i32 to vector<16xi32>
      %min3A_521 = arith.minsi %min3A_511, %min3A_520 : vector<16xi32>
      %gather3A_522 = tpu.vector_load_idx %arg5[%and3A_31, %min3A_521] : memref<8x128xf32, #tpu.memory_space<vmem>>[vector<16xi32>, vector<16xi32>], vector<16xf32>,
      %ge3A = arith.constant 1 : i32
      %ge3A_523 = vector.broadcast %ge3A : i32 to vector<16xi32>
      %ge3A_524 = arith.cmpi sge, %min3A_511, %ge3A_523 : vector<16xi32>
      %lt3A_525 = arith.cmpf olt, %mul3A_501, %gather3A_518 : vector<16xf32>
      %and3A_526 = arith.andi %ge3A_524, %lt3A_525 : vector<16xi1>
      %convert_element_type3A_527 = arith.extui %and3A_526 : vector<16xi1> to vector<16xi32>
      %le3A = arith.constant 98 : i32
      %le3A_528 = vector.broadcast %le3A : i32 to vector<16xi32>
      %le3A_529 = arith.cmpi sle, %min3A_511, %le3A_528 : vector<16xi32>
      %ge3A_530 = arith.cmpf oge, %mul3A_501, %gather3A_522 : vector<16xf32>
      %and3A_531 = arith.andi %le3A_529, %ge3A_530 : vector<16xi1>
      %convert_element_type3A_532 = arith.extui %and3A_531 : vector<16xi1> to vector<16xi32>
      %sub3A_533 = arith.subi %min3A_511, %convert_element_type3A_527 : vector<16xi32>
      %add3A_534 = arith.addi %sub3A_533, %convert_element_type3A_532 : vector<16xi32>
      %add3A_535 = arith.addi %add3A_534, %mul3A_65 : vector<16xi32>
      %jit3A_536 = arith.constant 8 : i32
      %div3A = arith.divsi %scan3A_491, %jit3A_536 : i32
      %sign3A = arith.constant 0 : i32
      %sign3A_537 = arith.cmpi sgt, %scan3A_491, %sign3A : i32
      %sign3A_538 = arith.extui %sign3A_537 : i1 to i32
      %sign3A_539 = arith.constant 0 : i32
      %sign3A_540 = arith.cmpi slt, %scan3A_491, %sign3A_539 : i32
      %sign3A_541 = arith.extui %sign3A_540 : i1 to i32
      %sign3A_542 = arith.subi %sign3A_538, %sign3A_541 : i32
      %sign3A_543 = arith.constant 0 : i32
      %sign3A_544 = arith.cmpi sgt, %jit3A_536, %sign3A_543 : i32
      %sign3A_545 = arith.extui %sign3A_544 : i1 to i32
      %sign3A_546 = arith.constant 0 : i32
      %sign3A_547 = arith.cmpi slt, %jit3A_536, %sign3A_546 : i32
      %sign3A_548 = arith.extui %sign3A_547 : i1 to i32
      %sign3A_549 = arith.subi %sign3A_545, %sign3A_548 : i32
      %ne3A = arith.cmpi ne, %sign3A_542, %sign3A_549 : i32
      %rem3A = arith.remsi %scan3A_491, %jit3A_536 : i32
      %ne3A_550 = arith.constant 0 : i32
      %ne3A_551 = arith.cmpi ne, %rem3A, %ne3A_550 : i32
      %and3A_552 = arith.andi %ne3A, %ne3A_551 : i1
      %sub3A_553 = arith.constant 1 : i32
      %sub3A_554 = arith.subi %div3A, %sub3A_553 : i32
      %select_n3A_555 = arith.select %and3A_552, %sub3A_554, %div3A : i32
      %jit3A_556 = arith.constant 8 : i32
      %eq3A_557 = arith.constant 0 : i32
      %eq3A_558 = arith.cmpi eq, %jit3A_556, %eq3A_557 : i32
      %jit3A_559 = arith.constant 1 : i32
      %select_n3A_560 = arith.select %eq3A_558, %jit3A_559, %jit3A_556 : i32
      %rem3A_561 = arith.remsi %scan3A_491, %select_n3A_560 : i32
      %ne3A_562 = arith.constant 0 : i32
      %ne3A_563 = arith.cmpi ne, %rem3A_561, %ne3A_562 : i32
      %lt3A_564 = arith.constant 0 : i32
      %lt3A_565 = arith.cmpi slt, %rem3A_561, %lt3A_564 : i32
      %lt3A_566 = arith.constant 0 : i32
      %lt3A_567 = arith.cmpi slt, %select_n3A_560, %lt3A_566 : i32
      %ne3A_568 = arith.xori %lt3A_565, %lt3A_567 : i1
      %and3A_569 = arith.andi %ne3A_568, %ne3A_563 : i1
      %add3A_570 = arith.addi %rem3A_561, %select_n3A_560 : i32
      %select_n3A_571 = arith.select %and3A_569, %add3A_570, %rem3A_561 : i32
      %mul3A_572 = arith.constant 16 : i32
      %mul3A_573 = arith.muli %select_n3A_571, %mul3A_572 : i32
      %swap3A = arith.index_cast %select_n3A_555 : i32 to index
      %swap3A_574 = arith.index_cast %mul3A_573 : i32 to index
      %swap3A_575 = tpu.vector_load %arg6[%swap3A, %swap3A_574] {strides = array<i32>} : memref<8x128xi32, #tpu.memory_space<vmem>>, vector<16xi32>,
      tpu.vector_store %arg6[%swap3A, %swap3A_574], %add3A_535 {strides = array<i32>} : memref<8x128xi32, #tpu.memory_space<vmem>>, vector<16xi32>,
    }
    %scan3A_70 = arith.constant 64 : i32
    %lt3A = arith.constant 2 : i32
    %lt3A_71 = arith.cmpi slt, %arg1, %lt3A : i32
    %convert_element_type3A_72 = arith.extui %lt3A_71 : i1 to i32
    %cond3A_73 = arith.constant 0 : i32
    %cond3A_74 = arith.cmpi ne, %convert_element_type3A_72, %cond3A_73 : i32
    scf.if %cond3A_74 {
      %dma_wait3A_491 = arith.constant 0 : i32
      %dma_wait3A_492 = arith.constant 0 : i32
      %dma_wait3A_493 = tpu.memref_slice %arg8[%dma_wait3A_491, %dma_wait3A_492] : memref<208x128xf32, #tpu.memory_space<vmem_shared>> -> memref<104x128xf32, #tpu.memory_space<vmem_shared>>
      %dma_wait3A_494 = arith.constant 256 : i32
      %dma_wait3A_495 = arith.constant 0 : i32
      %dma_wait3A_496 = tpu.memref_slice %arg2[%dma_wait3A_494, %dma_wait3A_495] : memref<472x128xf32, #tpu.memory_space<hbm>> -> memref<104x128xf32, #tpu.memory_space<hbm>>
      tpu.wait_dma2 semaphore(%arg9 : memref<!tpu.dma_semaphore, #tpu.memory_space<semaphore_mem>>) src(%dma_wait3A_496 : memref<104x128xf32, #tpu.memory_space<hbm>>) dst(%dma_wait3A_493 : memref<104x128xf32, #tpu.memory_space<vmem_shared>>)
    } else {
    }
    %barrier3A = arith.constant 0 : index
    tpu.barrier barrier_id(%barrier3A)
    %dma_start3A_75 = arith.constant 0 : i32
    %dma_start3A_76 = arith.constant 0 : i32
    %dma_start3A_77 = arith.constant 0 : i32
    %dma_start3A_78 = arith.constant 0 : i32
    %dma_start3A_79 = tpu.memref_slice %arg7[%dma_start3A_76, %dma_start3A_77, %dma_start3A_78] : memref<6x128x128xf32, #tpu.memory_space<vmem>> -> memref<1x128x128xf32, #tpu.memory_space<vmem>>
    %dma_start3A_80 = tpu.memref_squeeze %dma_start3A_79 : memref<1x128x128xf32, #tpu.memory_space<vmem>> -> memref<128x128xf32, #tpu.memory_space<vmem>>
    %dma_start3A_81 = arith.constant 0 : i32
    %dma_start3A_82 = tpu.memref_slice %arg6[%dma_start3A_75, %dma_start3A_81] : memref<8x128xi32, #tpu.memory_space<vmem>> -> memref<1x128xi32, #tpu.memory_space<vmem>>
    %dma_start3A_83 = tpu.memref_squeeze %dma_start3A_82 : memref<1x128xi32, #tpu.memory_space<vmem>> -> memref<128xi32, #tpu.memory_space<vmem>>
    %dma_start3A_84 = arith.constant 0 : i32
    %dma_start3A_85 = arith.constant 0 : i32
    %dma_start3A_86 = tpu.memref_slice %arg8[%dma_start3A_84, %dma_start3A_85] : memref<208x128xf32, #tpu.memory_space<vmem_shared>> -> memref<208x128xf32, #tpu.memory_space<vmem_shared>>
    tpu.enqueue_indirect_dma source(%dma_start3A_86 : memref<208x128xf32, #tpu.memory_space<vmem_shared>>) target(%dma_start3A_80 : memref<128x128xf32, #tpu.memory_space<vmem>>) offsets(%dma_start3A_83 : memref<128xi32, #tpu.memory_space<vmem>>) semaphore(%arg12 : memref<!tpu.dma_semaphore, #tpu.memory_space<semaphore_mem>>)
    %dma_start3A_87 = arith.constant 1 : i32
    %dma_start3A_88 = arith.constant 1 : i32
    %dma_start3A_89 = arith.constant 0 : i32
    %dma_start3A_90 = arith.constant 0 : i32
    %dma_start3A_91 = tpu.memref_slice %arg7[%dma_start3A_88, %dma_start3A_89, %dma_start3A_90] : memref<6x128x128xf32, #tpu.memory_space<vmem>> -> memref<1x128x128xf32, #tpu.memory_space<vmem>>
    %dma_start3A_92 = tpu.memref_squeeze %dma_start3A_91 : memref<1x128x128xf32, #tpu.memory_space<vmem>> -> memref<128x128xf32, #tpu.memory_space<vmem>>
    %dma_start3A_93 = arith.constant 0 : i32
    %dma_start3A_94 = tpu.memref_slice %arg6[%dma_start3A_87, %dma_start3A_93] : memref<8x128xi32, #tpu.memory_space<vmem>> -> memref<1x128xi32, #tpu.memory_space<vmem>>
    %dma_start3A_95 = tpu.memref_squeeze %dma_start3A_94 : memref<1x128xi32, #tpu.memory_space<vmem>> -> memref<128xi32, #tpu.memory_space<vmem>>
    %dma_start3A_96 = arith.constant 0 : i32
    %dma_start3A_97 = arith.constant 0 : i32
    %dma_start3A_98 = tpu.memref_slice %arg8[%dma_start3A_96, %dma_start3A_97] : memref<208x128xf32, #tpu.memory_space<vmem_shared>> -> memref<208x128xf32, #tpu.memory_space<vmem_shared>>
    tpu.enqueue_indirect_dma source(%dma_start3A_98 : memref<208x128xf32, #tpu.memory_space<vmem_shared>>) target(%dma_start3A_92 : memref<128x128xf32, #tpu.memory_space<vmem>>) offsets(%dma_start3A_95 : memref<128xi32, #tpu.memory_space<vmem>>) semaphore(%arg13 : memref<!tpu.dma_semaphore, #tpu.memory_space<semaphore_mem>>)
    %dma_start3A_99 = arith.constant 2 : i32
    %dma_start3A_100 = arith.constant 2 : i32
    %dma_start3A_101 = arith.constant 0 : i32
    %dma_start3A_102 = arith.constant 0 : i32
    %dma_start3A_103 = tpu.memref_slice %arg7[%dma_start3A_100, %dma_start3A_101, %dma_start3A_102] : memref<6x128x128xf32, #tpu.memory_space<vmem>> -> memref<1x128x128xf32, #tpu.memory_space<vmem>>
    %dma_start3A_104 = tpu.memref_squeeze %dma_start3A_103 : memref<1x128x128xf32, #tpu.memory_space<vmem>> -> memref<128x128xf32, #tpu.memory_space<vmem>>
    %dma_start3A_105 = arith.constant 0 : i32
    %dma_start3A_106 = tpu.memref_slice %arg6[%dma_start3A_99, %dma_start3A_105] : memref<8x128xi32, #tpu.memory_space<vmem>> -> memref<1x128xi32, #tpu.memory_space<vmem>>
    %dma_start3A_107 = tpu.memref_squeeze %dma_start3A_106 : memref<1x128xi32, #tpu.memory_space<vmem>> -> memref<128xi32, #tpu.memory_space<vmem>>
    %dma_start3A_108 = arith.constant 0 : i32
    %dma_start3A_109 = arith.constant 0 : i32
    %dma_start3A_110 = tpu.memref_slice %arg8[%dma_start3A_108, %dma_start3A_109] : memref<208x128xf32, #tpu.memory_space<vmem_shared>> -> memref<208x128xf32, #tpu.memory_space<vmem_shared>>
    tpu.enqueue_indirect_dma source(%dma_start3A_110 : memref<208x128xf32, #tpu.memory_space<vmem_shared>>) target(%dma_start3A_104 : memref<128x128xf32, #tpu.memory_space<vmem>>) offsets(%dma_start3A_107 : memref<128xi32, #tpu.memory_space<vmem>>) semaphore(%arg14 : memref<!tpu.dma_semaphore, #tpu.memory_space<semaphore_mem>>)
    %dma_start3A_111 = arith.constant 3 : i32
    %dma_start3A_112 = arith.constant 3 : i32
    %dma_start3A_113 = arith.constant 0 : i32
    %dma_start3A_114 = arith.constant 0 : i32
    %dma_start3A_115 = tpu.memref_slice %arg7[%dma_start3A_112, %dma_start3A_113, %dma_start3A_114] : memref<6x128x128xf32, #tpu.memory_space<vmem>> -> memref<1x128x128xf32, #tpu.memory_space<vmem>>
    %dma_start3A_116 = tpu.memref_squeeze %dma_start3A_115 : memref<1x128x128xf32, #tpu.memory_space<vmem>> -> memref<128x128xf32, #tpu.memory_space<vmem>>
    %dma_start3A_117 = arith.constant 0 : i32
    %dma_start3A_118 = tpu.memref_slice %arg6[%dma_start3A_111, %dma_start3A_117] : memref<8x128xi32, #tpu.memory_space<vmem>> -> memref<1x128xi32, #tpu.memory_space<vmem>>
    %dma_start3A_119 = tpu.memref_squeeze %dma_start3A_118 : memref<1x128xi32, #tpu.memory_space<vmem>> -> memref<128xi32, #tpu.memory_space<vmem>>
    %dma_start3A_120 = arith.constant 0 : i32
    %dma_start3A_121 = arith.constant 0 : i32
    %dma_start3A_122 = tpu.memref_slice %arg8[%dma_start3A_120, %dma_start3A_121] : memref<208x128xf32, #tpu.memory_space<vmem_shared>> -> memref<208x128xf32, #tpu.memory_space<vmem_shared>>
    tpu.enqueue_indirect_dma source(%dma_start3A_122 : memref<208x128xf32, #tpu.memory_space<vmem_shared>>) target(%dma_start3A_116 : memref<128x128xf32, #tpu.memory_space<vmem>>) offsets(%dma_start3A_119 : memref<128xi32, #tpu.memory_space<vmem>>) semaphore(%arg15 : memref<!tpu.dma_semaphore, #tpu.memory_space<semaphore_mem>>)
    %dma_start3A_123 = arith.constant 4 : i32
    %dma_start3A_124 = arith.constant 4 : i32
    %dma_start3A_125 = arith.constant 0 : i32
    %dma_start3A_126 = arith.constant 0 : i32
    %dma_start3A_127 = tpu.memref_slice %arg7[%dma_start3A_124, %dma_start3A_125, %dma_start3A_126] : memref<6x128x128xf32, #tpu.memory_space<vmem>> -> memref<1x128x128xf32, #tpu.memory_space<vmem>>
    %dma_start3A_128 = tpu.memref_squeeze %dma_start3A_127 : memref<1x128x128xf32, #tpu.memory_space<vmem>> -> memref<128x128xf32, #tpu.memory_space<vmem>>
    %dma_start3A_129 = arith.constant 0 : i32
    %dma_start3A_130 = tpu.memref_slice %arg6[%dma_start3A_123, %dma_start3A_129] : memref<8x128xi32, #tpu.memory_space<vmem>> -> memref<1x128xi32, #tpu.memory_space<vmem>>
    %dma_start3A_131 = tpu.memref_squeeze %dma_start3A_130 : memref<1x128xi32, #tpu.memory_space<vmem>> -> memref<128xi32, #tpu.memory_space<vmem>>
    %dma_start3A_132 = arith.constant 0 : i32
    %dma_start3A_133 = arith.constant 0 : i32
    %dma_start3A_134 = tpu.memref_slice %arg8[%dma_start3A_132, %dma_start3A_133] : memref<208x128xf32, #tpu.memory_space<vmem_shared>> -> memref<208x128xf32, #tpu.memory_space<vmem_shared>>
    tpu.enqueue_indirect_dma source(%dma_start3A_134 : memref<208x128xf32, #tpu.memory_space<vmem_shared>>) target(%dma_start3A_128 : memref<128x128xf32, #tpu.memory_space<vmem>>) offsets(%dma_start3A_131 : memref<128xi32, #tpu.memory_space<vmem>>) semaphore(%arg16 : memref<!tpu.dma_semaphore, #tpu.memory_space<semaphore_mem>>)
    %dma_start3A_135 = arith.constant 5 : i32
    %dma_start3A_136 = arith.constant 5 : i32
    %dma_start3A_137 = arith.constant 0 : i32
    %dma_start3A_138 = arith.constant 0 : i32
    %dma_start3A_139 = tpu.memref_slice %arg7[%dma_start3A_136, %dma_start3A_137, %dma_start3A_138] : memref<6x128x128xf32, #tpu.memory_space<vmem>> -> memref<1x128x128xf32, #tpu.memory_space<vmem>>
    %dma_start3A_140 = tpu.memref_squeeze %dma_start3A_139 : memref<1x128x128xf32, #tpu.memory_space<vmem>> -> memref<128x128xf32, #tpu.memory_space<vmem>>
    %dma_start3A_141 = arith.constant 0 : i32
    %dma_start3A_142 = tpu.memref_slice %arg6[%dma_start3A_135, %dma_start3A_141] : memref<8x128xi32, #tpu.memory_space<vmem>> -> memref<1x128xi32, #tpu.memory_space<vmem>>
    %dma_start3A_143 = tpu.memref_squeeze %dma_start3A_142 : memref<1x128xi32, #tpu.memory_space<vmem>> -> memref<128xi32, #tpu.memory_space<vmem>>
    %dma_start3A_144 = arith.constant 0 : i32
    %dma_start3A_145 = arith.constant 0 : i32
    %dma_start3A_146 = tpu.memref_slice %arg8[%dma_start3A_144, %dma_start3A_145] : memref<208x128xf32, #tpu.memory_space<vmem_shared>> -> memref<208x128xf32, #tpu.memory_space<vmem_shared>>
    tpu.enqueue_indirect_dma source(%dma_start3A_146 : memref<208x128xf32, #tpu.memory_space<vmem_shared>>) target(%dma_start3A_140 : memref<128x128xf32, #tpu.memory_space<vmem>>) offsets(%dma_start3A_143 : memref<128xi32, #tpu.memory_space<vmem>>) semaphore(%arg17 : memref<!tpu.dma_semaphore, #tpu.memory_space<semaphore_mem>>)
    %dma_wait3A_147 = arith.constant 0 : i32
    %dma_wait3A_148 = arith.constant 0 : i32
    %dma_wait3A_149 = arith.constant 0 : i32
    %dma_wait3A_150 = arith.constant 0 : i32
    %dma_wait3A_151 = tpu.memref_slice %arg7[%dma_wait3A_148, %dma_wait3A_149, %dma_wait3A_150] : memref<6x128x128xf32, #tpu.memory_space<vmem>> -> memref<1x128x128xf32, #tpu.memory_space<vmem>>
    %dma_wait3A_152 = tpu.memref_squeeze %dma_wait3A_151 : memref<1x128x128xf32, #tpu.memory_space<vmem>> -> memref<128x128xf32, #tpu.memory_space<vmem>>
    %dma_wait3A_153 = arith.constant 0 : i32
    %dma_wait3A_154 = tpu.memref_slice %arg6[%dma_wait3A_147, %dma_wait3A_153] : memref<8x128xi32, #tpu.memory_space<vmem>> -> memref<1x128xi32, #tpu.memory_space<vmem>>
    %dma_wait3A_155 = tpu.memref_squeeze %dma_wait3A_154 : memref<1x128xi32, #tpu.memory_space<vmem>> -> memref<128xi32, #tpu.memory_space<vmem>>
    %dma_wait3A_156 = arith.constant 0 : i32
    %dma_wait3A_157 = arith.constant 0 : i32
    %dma_wait3A_158 = tpu.memref_slice %arg8[%dma_wait3A_156, %dma_wait3A_157] : memref<208x128xf32, #tpu.memory_space<vmem_shared>> -> memref<208x128xf32, #tpu.memory_space<vmem_shared>>
    tpu.wait_indirect_dma semaphore(%arg12 : memref<!tpu.dma_semaphore, #tpu.memory_space<semaphore_mem>>) src(%dma_wait3A_158 : memref<208x128xf32, #tpu.memory_space<vmem_shared>>) dst(%dma_wait3A_152 : memref<128x128xf32, #tpu.memory_space<vmem>>)
    %add3A_159 = arith.constant 0 : i32
    %add3A_160 = arith.addi %mul3A_2, %add3A_159 : i32
    %dma_start3A_161 = arith.constant 0 : i32
    %dma_start3A_162 = arith.constant 0 : i32
    %dma_start3A_163 = arith.constant 0 : i32
    %dma_start3A_164 = tpu.memref_slice %arg7[%dma_start3A_161, %dma_start3A_162, %dma_start3A_163] : memref<6x128x128xf32, #tpu.memory_space<vmem>> -> memref<1x128x128xf32, #tpu.memory_space<vmem>>
    %dma_start3A_165 = tpu.memref_squeeze %dma_start3A_164 : memref<1x128x128xf32, #tpu.memory_space<vmem>> -> memref<128x128xf32, #tpu.memory_space<vmem>>
    %dma_start3A_166 = arith.constant 0 : i32
    %dma_start3A_167 = tpu.memref_slice %arg3[%add3A_160, %dma_start3A_166] : memref<32768x128xf32, #tpu.memory_space<hbm>> -> memref<128x128xf32, #tpu.memory_space<hbm>>
    %dma_start3A_168 = arith.constant 0 : i32
    %dma_start3A_169 = tpu.memref_slice %arg3[%add3A_160, %dma_start3A_168] : memref<32768x128xf32, #tpu.memory_space<hbm>> -> memref<128x128xf32, #tpu.memory_space<hbm>>
    %dma_start3A_170 = arith.constant 0 : i32
    %dma_start3A_171 = arith.constant 0 : i32
    %dma_start3A_172 = tpu.memref_slice %arg7[%dma_start3A_161, %dma_start3A_170, %dma_start3A_171] : memref<6x128x128xf32, #tpu.memory_space<vmem>> -> memref<1x128x128xf32, #tpu.memory_space<vmem>>
    %dma_start3A_173 = tpu.memref_squeeze %dma_start3A_172 : memref<1x128x128xf32, #tpu.memory_space<vmem>> -> memref<128x128xf32, #tpu.memory_space<vmem>>
    tpu.enqueue_dma source(%dma_start3A_173 : memref<128x128xf32, #tpu.memory_space<vmem>>) target(%dma_start3A_169 : memref<128x128xf32, #tpu.memory_space<hbm>>) target_semaphore(%arg18 : memref<!tpu.dma_semaphore, #tpu.memory_space<semaphore_mem>>)
    %dma_wait3A_174 = arith.constant 0 : i32
    %dma_wait3A_175 = arith.constant 0 : i32
    %dma_wait3A_176 = arith.constant 0 : i32
    %dma_wait3A_177 = tpu.memref_slice %arg7[%dma_wait3A_174, %dma_wait3A_175, %dma_wait3A_176] : memref<6x128x128xf32, #tpu.memory_space<vmem>> -> memref<1x128x128xf32, #tpu.memory_space<vmem>>
    %dma_wait3A_178 = tpu.memref_squeeze %dma_wait3A_177 : memref<1x128x128xf32, #tpu.memory_space<vmem>> -> memref<128x128xf32, #tpu.memory_space<vmem>>
    %dma_wait3A_179 = arith.constant 0 : i32
    %dma_wait3A_180 = tpu.memref_slice %arg3[%add3A_160, %dma_wait3A_179] : memref<32768x128xf32, #tpu.memory_space<hbm>> -> memref<128x128xf32, #tpu.memory_space<hbm>>
    %dma_wait3A_181 = arith.constant 0 : i32
    %dma_wait3A_182 = tpu.memref_slice %arg3[%add3A_160, %dma_wait3A_181] : memref<32768x128xf32, #tpu.memory_space<hbm>> -> memref<128x128xf32, #tpu.memory_space<hbm>>
    %dma_wait3A_183 = arith.constant 0 : i32
    %dma_wait3A_184 = arith.constant 0 : i32
    %dma_wait3A_185 = tpu.memref_slice %arg7[%dma_wait3A_174, %dma_wait3A_183, %dma_wait3A_184] : memref<6x128x128xf32, #tpu.memory_space<vmem>> -> memref<1x128x128xf32, #tpu.memory_space<vmem>>
    %dma_wait3A_186 = tpu.memref_squeeze %dma_wait3A_185 : memref<1x128x128xf32, #tpu.memory_space<vmem>> -> memref<128x128xf32, #tpu.memory_space<vmem>>
    tpu.wait_dma2 semaphore(%arg18 : memref<!tpu.dma_semaphore, #tpu.memory_space<semaphore_mem>>) src(%dma_wait3A_186 : memref<128x128xf32, #tpu.memory_space<vmem>>) dst(%dma_wait3A_182 : memref<128x128xf32, #tpu.memory_space<hbm>>)
    %dma_start3A_187 = arith.constant 6 : i32
    %dma_start3A_188 = arith.constant 0 : i32
    %dma_start3A_189 = arith.constant 0 : i32
    %dma_start3A_190 = arith.constant 0 : i32
    %dma_start3A_191 = tpu.memref_slice %arg7[%dma_start3A_188, %dma_start3A_189, %dma_start3A_190] : memref<6x128x128xf32, #tpu.memory_space<vmem>> -> memref<1x128x128xf32, #tpu.memory_space<vmem>>
    %dma_start3A_192 = tpu.memref_squeeze %dma_start3A_191 : memref<1x128x128xf32, #tpu.memory_space<vmem>> -> memref<128x128xf32, #tpu.memory_space<vmem>>
    %dma_start3A_193 = arith.constant 0 : i32
    %dma_start3A_194 = tpu.memref_slice %arg6[%dma_start3A_187, %dma_start3A_193] : memref<8x128xi32, #tpu.memory_space<vmem>> -> memref<1x128xi32, #tpu.memory_space<vmem>>
    %dma_start3A_195 = tpu.memref_squeeze %dma_start3A_194 : memref<1x128xi32, #tpu.memory_space<vmem>> -> memref<128xi32, #tpu.memory_space<vmem>>
    %dma_start3A_196 = arith.constant 0 : i32
    %dma_start3A_197 = arith.constant 0 : i32
    %dma_start3A_198 = tpu.memref_slice %arg8[%dma_start3A_196, %dma_start3A_197] : memref<208x128xf32, #tpu.memory_space<vmem_shared>> -> memref<208x128xf32, #tpu.memory_space<vmem_shared>>
    tpu.enqueue_indirect_dma source(%dma_start3A_198 : memref<208x128xf32, #tpu.memory_space<vmem_shared>>) target(%dma_start3A_192 : memref<128x128xf32, #tpu.memory_space<vmem>>) offsets(%dma_start3A_195 : memref<128xi32, #tpu.memory_space<vmem>>) semaphore(%arg12 : memref<!tpu.dma_semaphore, #tpu.memory_space<semaphore_mem>>)
    %dma_wait3A_199 = arith.constant 1 : i32
    %dma_wait3A_200 = arith.constant 1 : i32
    %dma_wait3A_201 = arith.constant 0 : i32
    %dma_wait3A_202 = arith.constant 0 : i32
    %dma_wait3A_203 = tpu.memref_slice %arg7[%dma_wait3A_200, %dma_wait3A_201, %dma_wait3A_202] : memref<6x128x128xf32, #tpu.memory_space<vmem>> -> memref<1x128x128xf32, #tpu.memory_space<vmem>>
    %dma_wait3A_204 = tpu.memref_squeeze %dma_wait3A_203 : memref<1x128x128xf32, #tpu.memory_space<vmem>> -> memref<128x128xf32, #tpu.memory_space<vmem>>
    %dma_wait3A_205 = arith.constant 0 : i32
    %dma_wait3A_206 = tpu.memref_slice %arg6[%dma_wait3A_199, %dma_wait3A_205] : memref<8x128xi32, #tpu.memory_space<vmem>> -> memref<1x128xi32, #tpu.memory_space<vmem>>
    %dma_wait3A_207 = tpu.memref_squeeze %dma_wait3A_206 : memref<1x128xi32, #tpu.memory_space<vmem>> -> memref<128xi32, #tpu.memory_space<vmem>>
    %dma_wait3A_208 = arith.constant 0 : i32
    %dma_wait3A_209 = arith.constant 0 : i32
    %dma_wait3A_210 = tpu.memref_slice %arg8[%dma_wait3A_208, %dma_wait3A_209] : memref<208x128xf32, #tpu.memory_space<vmem_shared>> -> memref<208x128xf32, #tpu.memory_space<vmem_shared>>
    tpu.wait_indirect_dma semaphore(%arg13 : memref<!tpu.dma_semaphore, #tpu.memory_space<semaphore_mem>>) src(%dma_wait3A_210 : memref<208x128xf32, #tpu.memory_space<vmem_shared>>) dst(%dma_wait3A_204 : memref<128x128xf32, #tpu.memory_space<vmem>>)
    %add3A_211 = arith.constant 128 : i32
    %add3A_212 = arith.addi %mul3A_2, %add3A_211 : i32
    %dma_start3A_213 = arith.constant 1 : i32
    %dma_start3A_214 = arith.constant 0 : i32
    %dma_start3A_215 = arith.constant 0 : i32
    %dma_start3A_216 = tpu.memref_slice %arg7[%dma_start3A_213, %dma_start3A_214, %dma_start3A_215] : memref<6x128x128xf32, #tpu.memory_space<vmem>> -> memref<1x128x128xf32, #tpu.memory_space<vmem>>
    %dma_start3A_217 = tpu.memref_squeeze %dma_start3A_216 : memref<1x128x128xf32, #tpu.memory_space<vmem>> -> memref<128x128xf32, #tpu.memory_space<vmem>>
    %dma_start3A_218 = arith.constant 0 : i32
    %dma_start3A_219 = tpu.memref_slice %arg3[%add3A_212, %dma_start3A_218] : memref<32768x128xf32, #tpu.memory_space<hbm>> -> memref<128x128xf32, #tpu.memory_space<hbm>>
    %dma_start3A_220 = arith.constant 0 : i32
    %dma_start3A_221 = tpu.memref_slice %arg3[%add3A_212, %dma_start3A_220] : memref<32768x128xf32, #tpu.memory_space<hbm>> -> memref<128x128xf32, #tpu.memory_space<hbm>>
    %dma_start3A_222 = arith.constant 0 : i32
    %dma_start3A_223 = arith.constant 0 : i32
    %dma_start3A_224 = tpu.memref_slice %arg7[%dma_start3A_213, %dma_start3A_222, %dma_start3A_223] : memref<6x128x128xf32, #tpu.memory_space<vmem>> -> memref<1x128x128xf32, #tpu.memory_space<vmem>>
    %dma_start3A_225 = tpu.memref_squeeze %dma_start3A_224 : memref<1x128x128xf32, #tpu.memory_space<vmem>> -> memref<128x128xf32, #tpu.memory_space<vmem>>
    tpu.enqueue_dma source(%dma_start3A_225 : memref<128x128xf32, #tpu.memory_space<vmem>>) target(%dma_start3A_221 : memref<128x128xf32, #tpu.memory_space<hbm>>) target_semaphore(%arg19 : memref<!tpu.dma_semaphore, #tpu.memory_space<semaphore_mem>>)
    %dma_wait3A_226 = arith.constant 1 : i32
    %dma_wait3A_227 = arith.constant 0 : i32
    %dma_wait3A_228 = arith.constant 0 : i32
    %dma_wait3A_229 = tpu.memref_slice %arg7[%dma_wait3A_226, %dma_wait3A_227, %dma_wait3A_228] : memref<6x128x128xf32, #tpu.memory_space<vmem>> -> memref<1x128x128xf32, #tpu.memory_space<vmem>>
    %dma_wait3A_230 = tpu.memref_squeeze %dma_wait3A_229 : memref<1x128x128xf32, #tpu.memory_space<vmem>> -> memref<128x128xf32, #tpu.memory_space<vmem>>
    %dma_wait3A_231 = arith.constant 0 : i32
    %dma_wait3A_232 = tpu.memref_slice %arg3[%add3A_212, %dma_wait3A_231] : memref<32768x128xf32, #tpu.memory_space<hbm>> -> memref<128x128xf32, #tpu.memory_space<hbm>>
    %dma_wait3A_233 = arith.constant 0 : i32
    %dma_wait3A_234 = tpu.memref_slice %arg3[%add3A_212, %dma_wait3A_233] : memref<32768x128xf32, #tpu.memory_space<hbm>> -> memref<128x128xf32, #tpu.memory_space<hbm>>
    %dma_wait3A_235 = arith.constant 0 : i32
    %dma_wait3A_236 = arith.constant 0 : i32
    %dma_wait3A_237 = tpu.memref_slice %arg7[%dma_wait3A_226, %dma_wait3A_235, %dma_wait3A_236] : memref<6x128x128xf32, #tpu.memory_space<vmem>> -> memref<1x128x128xf32, #tpu.memory_space<vmem>>
    %dma_wait3A_238 = tpu.memref_squeeze %dma_wait3A_237 : memref<1x128x128xf32, #tpu.memory_space<vmem>> -> memref<128x128xf32, #tpu.memory_space<vmem>>
    tpu.wait_dma2 semaphore(%arg19 : memref<!tpu.dma_semaphore, #tpu.memory_space<semaphore_mem>>) src(%dma_wait3A_238 : memref<128x128xf32, #tpu.memory_space<vmem>>) dst(%dma_wait3A_234 : memref<128x128xf32, #tpu.memory_space<hbm>>)
    %dma_start3A_239 = arith.constant 7 : i32
    %dma_start3A_240 = arith.constant 1 : i32
    %dma_start3A_241 = arith.constant 0 : i32
    %dma_start3A_242 = arith.constant 0 : i32
    %dma_start3A_243 = tpu.memref_slice %arg7[%dma_start3A_240, %dma_start3A_241, %dma_start3A_242] : memref<6x128x128xf32, #tpu.memory_space<vmem>> -> memref<1x128x128xf32, #tpu.memory_space<vmem>>
    %dma_start3A_244 = tpu.memref_squeeze %dma_start3A_243 : memref<1x128x128xf32, #tpu.memory_space<vmem>> -> memref<128x128xf32, #tpu.memory_space<vmem>>
    %dma_start3A_245 = arith.constant 0 : i32
    %dma_start3A_246 = tpu.memref_slice %arg6[%dma_start3A_239, %dma_start3A_245] : memref<8x128xi32, #tpu.memory_space<vmem>> -> memref<1x128xi32, #tpu.memory_space<vmem>>
    %dma_start3A_247 = tpu.memref_squeeze %dma_start3A_246 : memref<1x128xi32, #tpu.memory_space<vmem>> -> memref<128xi32, #tpu.memory_space<vmem>>
    %dma_start3A_248 = arith.constant 0 : i32
    %dma_start3A_249 = arith.constant 0 : i32
    %dma_start3A_250 = tpu.memref_slice %arg8[%dma_start3A_248, %dma_start3A_249] : memref<208x128xf32, #tpu.memory_space<vmem_shared>> -> memref<208x128xf32, #tpu.memory_space<vmem_shared>>
    tpu.enqueue_indirect_dma source(%dma_start3A_250 : memref<208x128xf32, #tpu.memory_space<vmem_shared>>) target(%dma_start3A_244 : memref<128x128xf32, #tpu.memory_space<vmem>>) offsets(%dma_start3A_247 : memref<128xi32, #tpu.memory_space<vmem>>) semaphore(%arg13 : memref<!tpu.dma_semaphore, #tpu.memory_space<semaphore_mem>>)
    %dma_wait3A_251 = arith.constant 2 : i32
    %dma_wait3A_252 = arith.constant 2 : i32
    %dma_wait3A_253 = arith.constant 0 : i32
    %dma_wait3A_254 = arith.constant 0 : i32
    %dma_wait3A_255 = tpu.memref_slice %arg7[%dma_wait3A_252, %dma_wait3A_253, %dma_wait3A_254] : memref<6x128x128xf32, #tpu.memory_space<vmem>> -> memref<1x128x128xf32, #tpu.memory_space<vmem>>
    %dma_wait3A_256 = tpu.memref_squeeze %dma_wait3A_255 : memref<1x128x128xf32, #tpu.memory_space<vmem>> -> memref<128x128xf32, #tpu.memory_space<vmem>>
    %dma_wait3A_257 = arith.constant 0 : i32
    %dma_wait3A_258 = tpu.memref_slice %arg6[%dma_wait3A_251, %dma_wait3A_257] : memref<8x128xi32, #tpu.memory_space<vmem>> -> memref<1x128xi32, #tpu.memory_space<vmem>>
    %dma_wait3A_259 = tpu.memref_squeeze %dma_wait3A_258 : memref<1x128xi32, #tpu.memory_space<vmem>> -> memref<128xi32, #tpu.memory_space<vmem>>
    %dma_wait3A_260 = arith.constant 0 : i32
    %dma_wait3A_261 = arith.constant 0 : i32
    %dma_wait3A_262 = tpu.memref_slice %arg8[%dma_wait3A_260, %dma_wait3A_261] : memref<208x128xf32, #tpu.memory_space<vmem_shared>> -> memref<208x128xf32, #tpu.memory_space<vmem_shared>>
    tpu.wait_indirect_dma semaphore(%arg14 : memref<!tpu.dma_semaphore, #tpu.memory_space<semaphore_mem>>) src(%dma_wait3A_262 : memref<208x128xf32, #tpu.memory_space<vmem_shared>>) dst(%dma_wait3A_256 : memref<128x128xf32, #tpu.memory_space<vmem>>)
    %add3A_263 = arith.constant 256 : i32
    %add3A_264 = arith.addi %mul3A_2, %add3A_263 : i32
    %dma_start3A_265 = arith.constant 2 : i32
    %dma_start3A_266 = arith.constant 0 : i32
    %dma_start3A_267 = arith.constant 0 : i32
    %dma_start3A_268 = tpu.memref_slice %arg7[%dma_start3A_265, %dma_start3A_266, %dma_start3A_267] : memref<6x128x128xf32, #tpu.memory_space<vmem>> -> memref<1x128x128xf32, #tpu.memory_space<vmem>>
    %dma_start3A_269 = tpu.memref_squeeze %dma_start3A_268 : memref<1x128x128xf32, #tpu.memory_space<vmem>> -> memref<128x128xf32, #tpu.memory_space<vmem>>
    %dma_start3A_270 = arith.constant 0 : i32
    %dma_start3A_271 = tpu.memref_slice %arg3[%add3A_264, %dma_start3A_270] : memref<32768x128xf32, #tpu.memory_space<hbm>> -> memref<128x128xf32, #tpu.memory_space<hbm>>
    %dma_start3A_272 = arith.constant 0 : i32
    %dma_start3A_273 = tpu.memref_slice %arg3[%add3A_264, %dma_start3A_272] : memref<32768x128xf32, #tpu.memory_space<hbm>> -> memref<128x128xf32, #tpu.memory_space<hbm>>
    %dma_start3A_274 = arith.constant 0 : i32
    %dma_start3A_275 = arith.constant 0 : i32
    %dma_start3A_276 = tpu.memref_slice %arg7[%dma_start3A_265, %dma_start3A_274, %dma_start3A_275] : memref<6x128x128xf32, #tpu.memory_space<vmem>> -> memref<1x128x128xf32, #tpu.memory_space<vmem>>
    %dma_start3A_277 = tpu.memref_squeeze %dma_start3A_276 : memref<1x128x128xf32, #tpu.memory_space<vmem>> -> memref<128x128xf32, #tpu.memory_space<vmem>>
    tpu.enqueue_dma source(%dma_start3A_277 : memref<128x128xf32, #tpu.memory_space<vmem>>) target(%dma_start3A_273 : memref<128x128xf32, #tpu.memory_space<hbm>>) target_semaphore(%arg20 : memref<!tpu.dma_semaphore, #tpu.memory_space<semaphore_mem>>)
    %dma_wait3A_278 = arith.constant 3 : i32
    %dma_wait3A_279 = arith.constant 3 : i32
    %dma_wait3A_280 = arith.constant 0 : i32
    %dma_wait3A_281 = arith.constant 0 : i32
    %dma_wait3A_282 = tpu.memref_slice %arg7[%dma_wait3A_279, %dma_wait3A_280, %dma_wait3A_281] : memref<6x128x128xf32, #tpu.memory_space<vmem>> -> memref<1x128x128xf32, #tpu.memory_space<vmem>>
    %dma_wait3A_283 = tpu.memref_squeeze %dma_wait3A_282 : memref<1x128x128xf32, #tpu.memory_space<vmem>> -> memref<128x128xf32, #tpu.memory_space<vmem>>
    %dma_wait3A_284 = arith.constant 0 : i32
    %dma_wait3A_285 = tpu.memref_slice %arg6[%dma_wait3A_278, %dma_wait3A_284] : memref<8x128xi32, #tpu.memory_space<vmem>> -> memref<1x128xi32, #tpu.memory_space<vmem>>
    %dma_wait3A_286 = tpu.memref_squeeze %dma_wait3A_285 : memref<1x128xi32, #tpu.memory_space<vmem>> -> memref<128xi32, #tpu.memory_space<vmem>>
    %dma_wait3A_287 = arith.constant 0 : i32
    %dma_wait3A_288 = arith.constant 0 : i32
    %dma_wait3A_289 = tpu.memref_slice %arg8[%dma_wait3A_287, %dma_wait3A_288] : memref<208x128xf32, #tpu.memory_space<vmem_shared>> -> memref<208x128xf32, #tpu.memory_space<vmem_shared>>
    tpu.wait_indirect_dma semaphore(%arg15 : memref<!tpu.dma_semaphore, #tpu.memory_space<semaphore_mem>>) src(%dma_wait3A_289 : memref<208x128xf32, #tpu.memory_space<vmem_shared>>) dst(%dma_wait3A_283 : memref<128x128xf32, #tpu.memory_space<vmem>>)
    %add3A_290 = arith.constant 384 : i32
    %add3A_291 = arith.addi %mul3A_2, %add3A_290 : i32
    %dma_start3A_292 = arith.constant 3 : i32
    %dma_start3A_293 = arith.constant 0 : i32
    %dma_start3A_294 = arith.constant 0 : i32
    %dma_start3A_295 = tpu.memref_slice %arg7[%dma_start3A_292, %dma_start3A_293, %dma_start3A_294] : memref<6x128x128xf32, #tpu.memory_space<vmem>> -> memref<1x128x128xf32, #tpu.memory_space<vmem>>
    %dma_start3A_296 = tpu.memref_squeeze %dma_start3A_295 : memref<1x128x128xf32, #tpu.memory_space<vmem>> -> memref<128x128xf32, #tpu.memory_space<vmem>>
    %dma_start3A_297 = arith.constant 0 : i32
    %dma_start3A_298 = tpu.memref_slice %arg3[%add3A_291, %dma_start3A_297] : memref<32768x128xf32, #tpu.memory_space<hbm>> -> memref<128x128xf32, #tpu.memory_space<hbm>>
    %dma_start3A_299 = arith.constant 0 : i32
    %dma_start3A_300 = tpu.memref_slice %arg3[%add3A_291, %dma_start3A_299] : memref<32768x128xf32, #tpu.memory_space<hbm>> -> memref<128x128xf32, #tpu.memory_space<hbm>>
    %dma_start3A_301 = arith.constant 0 : i32
    %dma_start3A_302 = arith.constant 0 : i32
    %dma_start3A_303 = tpu.memref_slice %arg7[%dma_start3A_292, %dma_start3A_301, %dma_start3A_302] : memref<6x128x128xf32, #tpu.memory_space<vmem>> -> memref<1x128x128xf32, #tpu.memory_space<vmem>>
    %dma_start3A_304 = tpu.memref_squeeze %dma_start3A_303 : memref<1x128x128xf32, #tpu.memory_space<vmem>> -> memref<128x128xf32, #tpu.memory_space<vmem>>
    tpu.enqueue_dma source(%dma_start3A_304 : memref<128x128xf32, #tpu.memory_space<vmem>>) target(%dma_start3A_300 : memref<128x128xf32, #tpu.memory_space<hbm>>) target_semaphore(%arg21 : memref<!tpu.dma_semaphore, #tpu.memory_space<semaphore_mem>>)
    %dma_wait3A_305 = arith.constant 4 : i32
    %dma_wait3A_306 = arith.constant 4 : i32
    %dma_wait3A_307 = arith.constant 0 : i32
    %dma_wait3A_308 = arith.constant 0 : i32
    %dma_wait3A_309 = tpu.memref_slice %arg7[%dma_wait3A_306, %dma_wait3A_307, %dma_wait3A_308] : memref<6x128x128xf32, #tpu.memory_space<vmem>> -> memref<1x128x128xf32, #tpu.memory_space<vmem>>
    %dma_wait3A_310 = tpu.memref_squeeze %dma_wait3A_309 : memref<1x128x128xf32, #tpu.memory_space<vmem>> -> memref<128x128xf32, #tpu.memory_space<vmem>>
    %dma_wait3A_311 = arith.constant 0 : i32
    %dma_wait3A_312 = tpu.memref_slice %arg6[%dma_wait3A_305, %dma_wait3A_311] : memref<8x128xi32, #tpu.memory_space<vmem>> -> memref<1x128xi32, #tpu.memory_space<vmem>>
    %dma_wait3A_313 = tpu.memref_squeeze %dma_wait3A_312 : memref<1x128xi32, #tpu.memory_space<vmem>> -> memref<128xi32, #tpu.memory_space<vmem>>
    %dma_wait3A_314 = arith.constant 0 : i32
    %dma_wait3A_315 = arith.constant 0 : i32
    %dma_wait3A_316 = tpu.memref_slice %arg8[%dma_wait3A_314, %dma_wait3A_315] : memref<208x128xf32, #tpu.memory_space<vmem_shared>> -> memref<208x128xf32, #tpu.memory_space<vmem_shared>>
    tpu.wait_indirect_dma semaphore(%arg16 : memref<!tpu.dma_semaphore, #tpu.memory_space<semaphore_mem>>) src(%dma_wait3A_316 : memref<208x128xf32, #tpu.memory_space<vmem_shared>>) dst(%dma_wait3A_310 : memref<128x128xf32, #tpu.memory_space<vmem>>)
    %add3A_317 = arith.constant 512 : i32
    %add3A_318 = arith.addi %mul3A_2, %add3A_317 : i32
    %dma_start3A_319 = arith.constant 4 : i32
    %dma_start3A_320 = arith.constant 0 : i32
    %dma_start3A_321 = arith.constant 0 : i32
    %dma_start3A_322 = tpu.memref_slice %arg7[%dma_start3A_319, %dma_start3A_320, %dma_start3A_321] : memref<6x128x128xf32, #tpu.memory_space<vmem>> -> memref<1x128x128xf32, #tpu.memory_space<vmem>>
    %dma_start3A_323 = tpu.memref_squeeze %dma_start3A_322 : memref<1x128x128xf32, #tpu.memory_space<vmem>> -> memref<128x128xf32, #tpu.memory_space<vmem>>
    %dma_start3A_324 = arith.constant 0 : i32
    %dma_start3A_325 = tpu.memref_slice %arg3[%add3A_318, %dma_start3A_324] : memref<32768x128xf32, #tpu.memory_space<hbm>> -> memref<128x128xf32, #tpu.memory_space<hbm>>
    %dma_start3A_326 = arith.constant 0 : i32
    %dma_start3A_327 = tpu.memref_slice %arg3[%add3A_318, %dma_start3A_326] : memref<32768x128xf32, #tpu.memory_space<hbm>> -> memref<128x128xf32, #tpu.memory_space<hbm>>
    %dma_start3A_328 = arith.constant 0 : i32
    %dma_start3A_329 = arith.constant 0 : i32
    %dma_start3A_330 = tpu.memref_slice %arg7[%dma_start3A_319, %dma_start3A_328, %dma_start3A_329] : memref<6x128x128xf32, #tpu.memory_space<vmem>> -> memref<1x128x128xf32, #tpu.memory_space<vmem>>
    %dma_start3A_331 = tpu.memref_squeeze %dma_start3A_330 : memref<1x128x128xf32, #tpu.memory_space<vmem>> -> memref<128x128xf32, #tpu.memory_space<vmem>>
    tpu.enqueue_dma source(%dma_start3A_331 : memref<128x128xf32, #tpu.memory_space<vmem>>) target(%dma_start3A_327 : memref<128x128xf32, #tpu.memory_space<hbm>>) target_semaphore(%arg22 : memref<!tpu.dma_semaphore, #tpu.memory_space<semaphore_mem>>)
    %dma_wait3A_332 = arith.constant 5 : i32
    %dma_wait3A_333 = arith.constant 5 : i32
    %dma_wait3A_334 = arith.constant 0 : i32
    %dma_wait3A_335 = arith.constant 0 : i32
    %dma_wait3A_336 = tpu.memref_slice %arg7[%dma_wait3A_333, %dma_wait3A_334, %dma_wait3A_335] : memref<6x128x128xf32, #tpu.memory_space<vmem>> -> memref<1x128x128xf32, #tpu.memory_space<vmem>>
    %dma_wait3A_337 = tpu.memref_squeeze %dma_wait3A_336 : memref<1x128x128xf32, #tpu.memory_space<vmem>> -> memref<128x128xf32, #tpu.memory_space<vmem>>
    %dma_wait3A_338 = arith.constant 0 : i32
    %dma_wait3A_339 = tpu.memref_slice %arg6[%dma_wait3A_332, %dma_wait3A_338] : memref<8x128xi32, #tpu.memory_space<vmem>> -> memref<1x128xi32, #tpu.memory_space<vmem>>
    %dma_wait3A_340 = tpu.memref_squeeze %dma_wait3A_339 : memref<1x128xi32, #tpu.memory_space<vmem>> -> memref<128xi32, #tpu.memory_space<vmem>>
    %dma_wait3A_341 = arith.constant 0 : i32
    %dma_wait3A_342 = arith.constant 0 : i32
    %dma_wait3A_343 = tpu.memref_slice %arg8[%dma_wait3A_341, %dma_wait3A_342] : memref<208x128xf32, #tpu.memory_space<vmem_shared>> -> memref<208x128xf32, #tpu.memory_space<vmem_shared>>
    tpu.wait_indirect_dma semaphore(%arg17 : memref<!tpu.dma_semaphore, #tpu.memory_space<semaphore_mem>>) src(%dma_wait3A_343 : memref<208x128xf32, #tpu.memory_space<vmem_shared>>) dst(%dma_wait3A_337 : memref<128x128xf32, #tpu.memory_space<vmem>>)
    %add3A_344 = arith.constant 640 : i32
    %add3A_345 = arith.addi %mul3A_2, %add3A_344 : i32
    %dma_start3A_346 = arith.constant 5 : i32
    %dma_start3A_347 = arith.constant 0 : i32
    %dma_start3A_348 = arith.constant 0 : i32
    %dma_start3A_349 = tpu.memref_slice %arg7[%dma_start3A_346, %dma_start3A_347, %dma_start3A_348] : memref<6x128x128xf32, #tpu.memory_space<vmem>> -> memref<1x128x128xf32, #tpu.memory_space<vmem>>
    %dma_start3A_350 = tpu.memref_squeeze %dma_start3A_349 : memref<1x128x128xf32, #tpu.memory_space<vmem>> -> memref<128x128xf32, #tpu.memory_space<vmem>>
    %dma_start3A_351 = arith.constant 0 : i32
    %dma_start3A_352 = tpu.memref_slice %arg3[%add3A_345, %dma_start3A_351] : memref<32768x128xf32, #tpu.memory_space<hbm>> -> memref<128x128xf32, #tpu.memory_space<hbm>>
    %dma_start3A_353 = arith.constant 0 : i32
    %dma_start3A_354 = tpu.memref_slice %arg3[%add3A_345, %dma_start3A_353] : memref<32768x128xf32, #tpu.memory_space<hbm>> -> memref<128x128xf32, #tpu.memory_space<hbm>>
    %dma_start3A_355 = arith.constant 0 : i32
    %dma_start3A_356 = arith.constant 0 : i32
    %dma_start3A_357 = tpu.memref_slice %arg7[%dma_start3A_346, %dma_start3A_355, %dma_start3A_356] : memref<6x128x128xf32, #tpu.memory_space<vmem>> -> memref<1x128x128xf32, #tpu.memory_space<vmem>>
    %dma_start3A_358 = tpu.memref_squeeze %dma_start3A_357 : memref<1x128x128xf32, #tpu.memory_space<vmem>> -> memref<128x128xf32, #tpu.memory_space<vmem>>
    tpu.enqueue_dma source(%dma_start3A_358 : memref<128x128xf32, #tpu.memory_space<vmem>>) target(%dma_start3A_354 : memref<128x128xf32, #tpu.memory_space<hbm>>) target_semaphore(%arg23 : memref<!tpu.dma_semaphore, #tpu.memory_space<semaphore_mem>>)
    %dma_wait3A_359 = arith.constant 6 : i32
    %dma_wait3A_360 = arith.constant 0 : i32
    %dma_wait3A_361 = arith.constant 0 : i32
    %dma_wait3A_362 = arith.constant 0 : i32
    %dma_wait3A_363 = tpu.memref_slice %arg7[%dma_wait3A_360, %dma_wait3A_361, %dma_wait3A_362] : memref<6x128x128xf32, #tpu.memory_space<vmem>> -> memref<1x128x128xf32, #tpu.memory_space<vmem>>
    %dma_wait3A_364 = tpu.memref_squeeze %dma_wait3A_363 : memref<1x128x128xf32, #tpu.memory_space<vmem>> -> memref<128x128xf32, #tpu.memory_space<vmem>>
    %dma_wait3A_365 = arith.constant 0 : i32
    %dma_wait3A_366 = tpu.memref_slice %arg6[%dma_wait3A_359, %dma_wait3A_365] : memref<8x128xi32, #tpu.memory_space<vmem>> -> memref<1x128xi32, #tpu.memory_space<vmem>>
    %dma_wait3A_367 = tpu.memref_squeeze %dma_wait3A_366 : memref<1x128xi32, #tpu.memory_space<vmem>> -> memref<128xi32, #tpu.memory_space<vmem>>
    %dma_wait3A_368 = arith.constant 0 : i32
    %dma_wait3A_369 = arith.constant 0 : i32
    %dma_wait3A_370 = tpu.memref_slice %arg8[%dma_wait3A_368, %dma_wait3A_369] : memref<208x128xf32, #tpu.memory_space<vmem_shared>> -> memref<208x128xf32, #tpu.memory_space<vmem_shared>>
    tpu.wait_indirect_dma semaphore(%arg12 : memref<!tpu.dma_semaphore, #tpu.memory_space<semaphore_mem>>) src(%dma_wait3A_370 : memref<208x128xf32, #tpu.memory_space<vmem_shared>>) dst(%dma_wait3A_364 : memref<128x128xf32, #tpu.memory_space<vmem>>)
    %add3A_371 = arith.constant 768 : i32
    %add3A_372 = arith.addi %mul3A_2, %add3A_371 : i32
    %dma_start3A_373 = arith.constant 0 : i32
    %dma_start3A_374 = arith.constant 0 : i32
    %dma_start3A_375 = arith.constant 0 : i32
    %dma_start3A_376 = tpu.memref_slice %arg7[%dma_start3A_373, %dma_start3A_374, %dma_start3A_375] : memref<6x128x128xf32, #tpu.memory_space<vmem>> -> memref<1x128x128xf32, #tpu.memory_space<vmem>>
    %dma_start3A_377 = tpu.memref_squeeze %dma_start3A_376 : memref<1x128x128xf32, #tpu.memory_space<vmem>> -> memref<128x128xf32, #tpu.memory_space<vmem>>
    %dma_start3A_378 = arith.constant 0 : i32
    %dma_start3A_379 = tpu.memref_slice %arg3[%add3A_372, %dma_start3A_378] : memref<32768x128xf32, #tpu.memory_space<hbm>> -> memref<128x128xf32, #tpu.memory_space<hbm>>
    %dma_start3A_380 = arith.constant 0 : i32
    %dma_start3A_381 = tpu.memref_slice %arg3[%add3A_372, %dma_start3A_380] : memref<32768x128xf32, #tpu.memory_space<hbm>> -> memref<128x128xf32, #tpu.memory_space<hbm>>
    %dma_start3A_382 = arith.constant 0 : i32
    %dma_start3A_383 = arith.constant 0 : i32
    %dma_start3A_384 = tpu.memref_slice %arg7[%dma_start3A_373, %dma_start3A_382, %dma_start3A_383] : memref<6x128x128xf32, #tpu.memory_space<vmem>> -> memref<1x128x128xf32, #tpu.memory_space<vmem>>
    %dma_start3A_385 = tpu.memref_squeeze %dma_start3A_384 : memref<1x128x128xf32, #tpu.memory_space<vmem>> -> memref<128x128xf32, #tpu.memory_space<vmem>>
    tpu.enqueue_dma source(%dma_start3A_385 : memref<128x128xf32, #tpu.memory_space<vmem>>) target(%dma_start3A_381 : memref<128x128xf32, #tpu.memory_space<hbm>>) target_semaphore(%arg18 : memref<!tpu.dma_semaphore, #tpu.memory_space<semaphore_mem>>)
    %dma_wait3A_386 = arith.constant 7 : i32
    %dma_wait3A_387 = arith.constant 1 : i32
    %dma_wait3A_388 = arith.constant 0 : i32
    %dma_wait3A_389 = arith.constant 0 : i32
    %dma_wait3A_390 = tpu.memref_slice %arg7[%dma_wait3A_387, %dma_wait3A_388, %dma_wait3A_389] : memref<6x128x128xf32, #tpu.memory_space<vmem>> -> memref<1x128x128xf32, #tpu.memory_space<vmem>>
    %dma_wait3A_391 = tpu.memref_squeeze %dma_wait3A_390 : memref<1x128x128xf32, #tpu.memory_space<vmem>> -> memref<128x128xf32, #tpu.memory_space<vmem>>
    %dma_wait3A_392 = arith.constant 0 : i32
    %dma_wait3A_393 = tpu.memref_slice %arg6[%dma_wait3A_386, %dma_wait3A_392] : memref<8x128xi32, #tpu.memory_space<vmem>> -> memref<1x128xi32, #tpu.memory_space<vmem>>
    %dma_wait3A_394 = tpu.memref_squeeze %dma_wait3A_393 : memref<1x128xi32, #tpu.memory_space<vmem>> -> memref<128xi32, #tpu.memory_space<vmem>>
    %dma_wait3A_395 = arith.constant 0 : i32
    %dma_wait3A_396 = arith.constant 0 : i32
    %dma_wait3A_397 = tpu.memref_slice %arg8[%dma_wait3A_395, %dma_wait3A_396] : memref<208x128xf32, #tpu.memory_space<vmem_shared>> -> memref<208x128xf32, #tpu.memory_space<vmem_shared>>
    tpu.wait_indirect_dma semaphore(%arg13 : memref<!tpu.dma_semaphore, #tpu.memory_space<semaphore_mem>>) src(%dma_wait3A_397 : memref<208x128xf32, #tpu.memory_space<vmem_shared>>) dst(%dma_wait3A_391 : memref<128x128xf32, #tpu.memory_space<vmem>>)
    %add3A_398 = arith.constant 896 : i32
    %add3A_399 = arith.addi %mul3A_2, %add3A_398 : i32
    %dma_start3A_400 = arith.constant 1 : i32
    %dma_start3A_401 = arith.constant 0 : i32
    %dma_start3A_402 = arith.constant 0 : i32
    %dma_start3A_403 = tpu.memref_slice %arg7[%dma_start3A_400, %dma_start3A_401, %dma_start3A_402] : memref<6x128x128xf32, #tpu.memory_space<vmem>> -> memref<1x128x128xf32, #tpu.memory_space<vmem>>
    %dma_start3A_404 = tpu.memref_squeeze %dma_start3A_403 : memref<1x128x128xf32, #tpu.memory_space<vmem>> -> memref<128x128xf32, #tpu.memory_space<vmem>>
    %dma_start3A_405 = arith.constant 0 : i32
    %dma_start3A_406 = tpu.memref_slice %arg3[%add3A_399, %dma_start3A_405] : memref<32768x128xf32, #tpu.memory_space<hbm>> -> memref<128x128xf32, #tpu.memory_space<hbm>>
    %dma_start3A_407 = arith.constant 0 : i32
    %dma_start3A_408 = tpu.memref_slice %arg3[%add3A_399, %dma_start3A_407] : memref<32768x128xf32, #tpu.memory_space<hbm>> -> memref<128x128xf32, #tpu.memory_space<hbm>>
    %dma_start3A_409 = arith.constant 0 : i32
    %dma_start3A_410 = arith.constant 0 : i32
    %dma_start3A_411 = tpu.memref_slice %arg7[%dma_start3A_400, %dma_start3A_409, %dma_start3A_410] : memref<6x128x128xf32, #tpu.memory_space<vmem>> -> memref<1x128x128xf32, #tpu.memory_space<vmem>>
    %dma_start3A_412 = tpu.memref_squeeze %dma_start3A_411 : memref<1x128x128xf32, #tpu.memory_space<vmem>> -> memref<128x128xf32, #tpu.memory_space<vmem>>
    tpu.enqueue_dma source(%dma_start3A_412 : memref<128x128xf32, #tpu.memory_space<vmem>>) target(%dma_start3A_408 : memref<128x128xf32, #tpu.memory_space<hbm>>) target_semaphore(%arg19 : memref<!tpu.dma_semaphore, #tpu.memory_space<semaphore_mem>>)
    %dma_wait3A_413 = arith.constant 2 : i32
    %dma_wait3A_414 = arith.constant 0 : i32
    %dma_wait3A_415 = arith.constant 0 : i32
    %dma_wait3A_416 = tpu.memref_slice %arg7[%dma_wait3A_413, %dma_wait3A_414, %dma_wait3A_415] : memref<6x128x128xf32, #tpu.memory_space<vmem>> -> memref<1x128x128xf32, #tpu.memory_space<vmem>>
    %dma_wait3A_417 = tpu.memref_squeeze %dma_wait3A_416 : memref<1x128x128xf32, #tpu.memory_space<vmem>> -> memref<128x128xf32, #tpu.memory_space<vmem>>
    %dma_wait3A_418 = arith.constant 0 : i32
    %dma_wait3A_419 = tpu.memref_slice %arg3[%add3A_264, %dma_wait3A_418] : memref<32768x128xf32, #tpu.memory_space<hbm>> -> memref<128x128xf32, #tpu.memory_space<hbm>>
    %dma_wait3A_420 = arith.constant 0 : i32
    %dma_wait3A_421 = tpu.memref_slice %arg3[%add3A_264, %dma_wait3A_420] : memref<32768x128xf32, #tpu.memory_space<hbm>> -> memref<128x128xf32, #tpu.memory_space<hbm>>
    %dma_wait3A_422 = arith.constant 0 : i32
    %dma_wait3A_423 = arith.constant 0 : i32
    %dma_wait3A_424 = tpu.memref_slice %arg7[%dma_wait3A_413, %dma_wait3A_422, %dma_wait3A_423] : memref<6x128x128xf32, #tpu.memory_space<vmem>> -> memref<1x128x128xf32, #tpu.memory_space<vmem>>
    %dma_wait3A_425 = tpu.memref_squeeze %dma_wait3A_424 : memref<1x128x128xf32, #tpu.memory_space<vmem>> -> memref<128x128xf32, #tpu.memory_space<vmem>>
    tpu.wait_dma2 semaphore(%arg20 : memref<!tpu.dma_semaphore, #tpu.memory_space<semaphore_mem>>) src(%dma_wait3A_425 : memref<128x128xf32, #tpu.memory_space<vmem>>) dst(%dma_wait3A_421 : memref<128x128xf32, #tpu.memory_space<hbm>>)
    %dma_wait3A_426 = arith.constant 3 : i32
    %dma_wait3A_427 = arith.constant 0 : i32
    %dma_wait3A_428 = arith.constant 0 : i32
    %dma_wait3A_429 = tpu.memref_slice %arg7[%dma_wait3A_426, %dma_wait3A_427, %dma_wait3A_428] : memref<6x128x128xf32, #tpu.memory_space<vmem>> -> memref<1x128x128xf32, #tpu.memory_space<vmem>>
    %dma_wait3A_430 = tpu.memref_squeeze %dma_wait3A_429 : memref<1x128x128xf32, #tpu.memory_space<vmem>> -> memref<128x128xf32, #tpu.memory_space<vmem>>
    %dma_wait3A_431 = arith.constant 0 : i32
    %dma_wait3A_432 = tpu.memref_slice %arg3[%add3A_291, %dma_wait3A_431] : memref<32768x128xf32, #tpu.memory_space<hbm>> -> memref<128x128xf32, #tpu.memory_space<hbm>>
    %dma_wait3A_433 = arith.constant 0 : i32
    %dma_wait3A_434 = tpu.memref_slice %arg3[%add3A_291, %dma_wait3A_433] : memref<32768x128xf32, #tpu.memory_space<hbm>> -> memref<128x128xf32, #tpu.memory_space<hbm>>
    %dma_wait3A_435 = arith.constant 0 : i32
    %dma_wait3A_436 = arith.constant 0 : i32
    %dma_wait3A_437 = tpu.memref_slice %arg7[%dma_wait3A_426, %dma_wait3A_435, %dma_wait3A_436] : memref<6x128x128xf32, #tpu.memory_space<vmem>> -> memref<1x128x128xf32, #tpu.memory_space<vmem>>
    %dma_wait3A_438 = tpu.memref_squeeze %dma_wait3A_437 : memref<1x128x128xf32, #tpu.memory_space<vmem>> -> memref<128x128xf32, #tpu.memory_space<vmem>>
    tpu.wait_dma2 semaphore(%arg21 : memref<!tpu.dma_semaphore, #tpu.memory_space<semaphore_mem>>) src(%dma_wait3A_438 : memref<128x128xf32, #tpu.memory_space<vmem>>) dst(%dma_wait3A_434 : memref<128x128xf32, #tpu.memory_space<hbm>>)
    %dma_wait3A_439 = arith.constant 4 : i32
    %dma_wait3A_440 = arith.constant 0 : i32
    %dma_wait3A_441 = arith.constant 0 : i32
    %dma_wait3A_442 = tpu.memref_slice %arg7[%dma_wait3A_439, %dma_wait3A_440, %dma_wait3A_441] : memref<6x128x128xf32, #tpu.memory_space<vmem>> -> memref<1x128x128xf32, #tpu.memory_space<vmem>>
    %dma_wait3A_443 = tpu.memref_squeeze %dma_wait3A_442 : memref<1x128x128xf32, #tpu.memory_space<vmem>> -> memref<128x128xf32, #tpu.memory_space<vmem>>
    %dma_wait3A_444 = arith.constant 0 : i32
    %dma_wait3A_445 = tpu.memref_slice %arg3[%add3A_318, %dma_wait3A_444] : memref<32768x128xf32, #tpu.memory_space<hbm>> -> memref<128x128xf32, #tpu.memory_space<hbm>>
    %dma_wait3A_446 = arith.constant 0 : i32
    %dma_wait3A_447 = tpu.memref_slice %arg3[%add3A_318, %dma_wait3A_446] : memref<32768x128xf32, #tpu.memory_space<hbm>> -> memref<128x128xf32, #tpu.memory_space<hbm>>
    %dma_wait3A_448 = arith.constant 0 : i32
    %dma_wait3A_449 = arith.constant 0 : i32
    %dma_wait3A_450 = tpu.memref_slice %arg7[%dma_wait3A_439, %dma_wait3A_448, %dma_wait3A_449] : memref<6x128x128xf32, #tpu.memory_space<vmem>> -> memref<1x128x128xf32, #tpu.memory_space<vmem>>
    %dma_wait3A_451 = tpu.memref_squeeze %dma_wait3A_450 : memref<1x128x128xf32, #tpu.memory_space<vmem>> -> memref<128x128xf32, #tpu.memory_space<vmem>>
    tpu.wait_dma2 semaphore(%arg22 : memref<!tpu.dma_semaphore, #tpu.memory_space<semaphore_mem>>) src(%dma_wait3A_451 : memref<128x128xf32, #tpu.memory_space<vmem>>) dst(%dma_wait3A_447 : memref<128x128xf32, #tpu.memory_space<hbm>>)
    %dma_wait3A_452 = arith.constant 5 : i32
    %dma_wait3A_453 = arith.constant 0 : i32
    %dma_wait3A_454 = arith.constant 0 : i32
    %dma_wait3A_455 = tpu.memref_slice %arg7[%dma_wait3A_452, %dma_wait3A_453, %dma_wait3A_454] : memref<6x128x128xf32, #tpu.memory_space<vmem>> -> memref<1x128x128xf32, #tpu.memory_space<vmem>>
    %dma_wait3A_456 = tpu.memref_squeeze %dma_wait3A_455 : memref<1x128x128xf32, #tpu.memory_space<vmem>> -> memref<128x128xf32, #tpu.memory_space<vmem>>
    %dma_wait3A_457 = arith.constant 0 : i32
    %dma_wait3A_458 = tpu.memref_slice %arg3[%add3A_345, %dma_wait3A_457] : memref<32768x128xf32, #tpu.memory_space<hbm>> -> memref<128x128xf32, #tpu.memory_space<hbm>>
    %dma_wait3A_459 = arith.constant 0 : i32
    %dma_wait3A_460 = tpu.memref_slice %arg3[%add3A_345, %dma_wait3A_459] : memref<32768x128xf32, #tpu.memory_space<hbm>> -> memref<128x128xf32, #tpu.memory_space<hbm>>
    %dma_wait3A_461 = arith.constant 0 : i32
    %dma_wait3A_462 = arith.constant 0 : i32
    %dma_wait3A_463 = tpu.memref_slice %arg7[%dma_wait3A_452, %dma_wait3A_461, %dma_wait3A_462] : memref<6x128x128xf32, #tpu.memory_space<vmem>> -> memref<1x128x128xf32, #tpu.memory_space<vmem>>
    %dma_wait3A_464 = tpu.memref_squeeze %dma_wait3A_463 : memref<1x128x128xf32, #tpu.memory_space<vmem>> -> memref<128x128xf32, #tpu.memory_space<vmem>>
    tpu.wait_dma2 semaphore(%arg23 : memref<!tpu.dma_semaphore, #tpu.memory_space<semaphore_mem>>) src(%dma_wait3A_464 : memref<128x128xf32, #tpu.memory_space<vmem>>) dst(%dma_wait3A_460 : memref<128x128xf32, #tpu.memory_space<hbm>>)
    %dma_wait3A_465 = arith.constant 0 : i32
    %dma_wait3A_466 = arith.constant 0 : i32
    %dma_wait3A_467 = arith.constant 0 : i32
    %dma_wait3A_468 = tpu.memref_slice %arg7[%dma_wait3A_465, %dma_wait3A_466, %dma_wait3A_467] : memref<6x128x128xf32, #tpu.memory_space<vmem>> -> memref<1x128x128xf32, #tpu.memory_space<vmem>>
    %dma_wait3A_469 = tpu.memref_squeeze %dma_wait3A_468 : memref<1x128x128xf32, #tpu.memory_space<vmem>> -> memref<128x128xf32, #tpu.memory_space<vmem>>
    %dma_wait3A_470 = arith.constant 0 : i32
    %dma_wait3A_471 = tpu.memref_slice %arg3[%add3A_372, %dma_wait3A_470] : memref<32768x128xf32, #tpu.memory_space<hbm>> -> memref<128x128xf32, #tpu.memory_space<hbm>>
    %dma_wait3A_472 = arith.constant 0 : i32
    %dma_wait3A_473 = tpu.memref_slice %arg3[%add3A_372, %dma_wait3A_472] : memref<32768x128xf32, #tpu.memory_space<hbm>> -> memref<128x128xf32, #tpu.memory_space<hbm>>
    %dma_wait3A_474 = arith.constant 0 : i32
    %dma_wait3A_475 = arith.constant 0 : i32
    %dma_wait3A_476 = tpu.memref_slice %arg7[%dma_wait3A_465, %dma_wait3A_474, %dma_wait3A_475] : memref<6x128x128xf32, #tpu.memory_space<vmem>> -> memref<1x128x128xf32, #tpu.memory_space<vmem>>
    %dma_wait3A_477 = tpu.memref_squeeze %dma_wait3A_476 : memref<1x128x128xf32, #tpu.memory_space<vmem>> -> memref<128x128xf32, #tpu.memory_space<vmem>>
    tpu.wait_dma2 semaphore(%arg18 : memref<!tpu.dma_semaphore, #tpu.memory_space<semaphore_mem>>) src(%dma_wait3A_477 : memref<128x128xf32, #tpu.memory_space<vmem>>) dst(%dma_wait3A_473 : memref<128x128xf32, #tpu.memory_space<hbm>>)
    %dma_wait3A_478 = arith.constant 1 : i32
    %dma_wait3A_479 = arith.constant 0 : i32
    %dma_wait3A_480 = arith.constant 0 : i32
    %dma_wait3A_481 = tpu.memref_slice %arg7[%dma_wait3A_478, %dma_wait3A_479, %dma_wait3A_480] : memref<6x128x128xf32, #tpu.memory_space<vmem>> -> memref<1x128x128xf32, #tpu.memory_space<vmem>>
    %dma_wait3A_482 = tpu.memref_squeeze %dma_wait3A_481 : memref<1x128x128xf32, #tpu.memory_space<vmem>> -> memref<128x128xf32, #tpu.memory_space<vmem>>
    %dma_wait3A_483 = arith.constant 0 : i32
    %dma_wait3A_484 = tpu.memref_slice %arg3[%add3A_399, %dma_wait3A_483] : memref<32768x128xf32, #tpu.memory_space<hbm>> -> memref<128x128xf32, #tpu.memory_space<hbm>>
    %dma_wait3A_485 = arith.constant 0 : i32
    %dma_wait3A_486 = tpu.memref_slice %arg3[%add3A_399, %dma_wait3A_485] : memref<32768x128xf32, #tpu.memory_space<hbm>> -> memref<128x128xf32, #tpu.memory_space<hbm>>
    %dma_wait3A_487 = arith.constant 0 : i32
    %dma_wait3A_488 = arith.constant 0 : i32
    %dma_wait3A_489 = tpu.memref_slice %arg7[%dma_wait3A_478, %dma_wait3A_487, %dma_wait3A_488] : memref<6x128x128xf32, #tpu.memory_space<vmem>> -> memref<1x128x128xf32, #tpu.memory_space<vmem>>
    %dma_wait3A_490 = tpu.memref_squeeze %dma_wait3A_489 : memref<1x128x128xf32, #tpu.memory_space<vmem>> -> memref<128x128xf32, #tpu.memory_space<vmem>>
    tpu.wait_dma2 semaphore(%arg19 : memref<!tpu.dma_semaphore, #tpu.memory_space<semaphore_mem>>) src(%dma_wait3A_490 : memref<128x128xf32, #tpu.memory_space<vmem>>) dst(%dma_wait3A_486 : memref<128x128xf32, #tpu.memory_space<hbm>>)
    return
  }
}

</mosaic_0001>

<sc_bundles>
// kernel: _sc_run.3.cloned.1.call-start
scs
__scs_entry_jumppad:
0x0: {  	(pc) =	sbr.rel $0x88, $3  }
0x1: {  	(tag) =	ssettag $0x0;
	lr =	simm.s32 $0x1  }
0x2: {  	[smem:$0x3FA0] =	sst lr;
	_ =	strace $0xD0000000  }
0x3: {  	_ = 	snop  }
0x4: {  	_ = 	snop  }
0x5: {  	_ = 	snop  }
0x6: {  	_ = 	snop  }
0x7: {  	_ = 	snop  }
__scs_overlays_trampoline_lowered:
0x8: {  	[smem:$0x3FAF] =	sst s0  }
0x9: {  	[smem:$0x3FB0] =	sst s1  }
0xa: {  	[smem:$0x3FB1] =	sst s2  }
0xb: {  	[smem:$0x3FB2] =	sst s3  }
0xc: {  	[smem:$0x3FB3] =	sst s4  }
0xd: {  	[smem:$0x3FB4] =	sst s5  }
0xe: {  	[smem:$0x3FB5] =	sst s6  }
0xf: {  	[smem:$0x3FB6] =	sst s7  }
0x10: {  	[smem:$0x3FB7] =	sst s8  }
0x11: {  	[smem:$0x3FB8] =	sst s9;
	s0 =	simm.s32 @!p0 $0x0  }
0x12: {  	s1 =	sld [smem:$0x3F9E];
	s0 =	simm.s32 @p0 $0x1  }
0x13: {  	[smem:$0x3FB9] =	sst s0;
	s0 =	simm.s32 @!p1 $0x0  }
0x14: {  	s2 =	sld [smem:$0x3F9D];
	s0 =	simm.s32 @p1 $0x1  }
0x15: {  	[smem:$0x3FBA] =	sst s0;
	s0 =	simm.s32 @!p2 $0x0  }
0x16: {  	s3 =	sld [smem:$0x3FDB];
	s0 =	simm.s32 @p2 $0x1  }
0x17: {  	s4 =	simm.s32 $0x1BF5;
	[smem:$0x3FBC] =	sst s0  }
0x18: {  	s0 =	sld [smem:$0x3F9F];
	_ =	swait.ge [sflag:s4], $0x0  }
0x19: {  	s7 =	sld [smem:$0x3FA0]  }
0x1a: {  	s8 =	sadd.s32 $0xFFFFE003, lr  }
0x1b: {  	s9 =	sadd.s32 $0xFFFFFEF7, lr;
	s5 =	simm.s32 $0xFFFFFFFF;
	p2 =	slt.u32 s8, $0xFFFFF086  }
0x1c: {  	p1 =	slt.u32 s9, $0xF7A;
	s5 =	simm.s32 @!p2 $0x0  }
0x1d: {  	s5 =	simm.s32 @p1 $0x1;
	p0 =	seq.s32 s7, s2  }
0x1e: {  	s7 =	smul.u32 @!p0 $0xF7A, s2;
	p2 =	seq.s32 @!p0 s5, $0x0  }
0x1f: {  	s9 =	smul.u32 $0xF7A, s1;
	s8 =	simm.s32 @!p0 $0x1BF5;
	p2 =	por !p2, p0  }
0x20: {  	[sflag:s8] =	ssyncset.s32 @!p0 $0xFFFFF086;
	s6 =	sadd.s32 @!p0 s3, s7;
	s7 =	simm.s32 @!p0 $0x108  }
0x21: {  	s3 =	sadd.s32 s3, s9;
	s6 =	sadd.s32 @!p0 $0x88, s6;
	s7 =	simm.s32 @p2 $0x1082  }
0x22: {  	[simem:s7], [sflag:s8] =	dma.local @!p0 [hbm:s6], $0xF7A  }
0x23: {  	s9 =	sor.u32 $0xD0000000, s2;
	s6 =	simm.s32 $0x108;
	_ =	swait.ge @!p0 [sflag:s8], $0x0  }
0x24: {  	s3 =	sadd.s32 $0x88, s3;
	s6 =	simm.s32 @!p1 $0x1082;
	[sflag:s4] =	ssyncset.s32 $0xFFFFF086  }
0x25: {  	[simem:s6], [sflag:s4] =	dma.local [hbm:s3], $0xF7A  }
0x26: {  	[smem:$0x3FA0] =	sst s1;
	(tag) =	ssettag s2;
	_ =	strace s9  }
0x27: {  	s1 =	sld [smem:$0x3FB0]  }
0x28: {  	s2 =	sld [smem:$0x3FB1]  }
0x29: {  	s4 =	sld [smem:$0x3FB3]  }
0x2a: {  	p0 =	seq.s32 s5, $0x0;
	s5 =	sld [smem:$0x3FB4]  }
0x2b: {  	s6 =	sld [smem:$0x3FB5]  }
0x2c: {  	s7 =	sld [smem:$0x3FB6]  }
0x2d: {  	s3 =	simm.s32 $0x108;
	s8 =	sld [smem:$0x3FB7]  }
0x2e: {  	s3 =	simm.s32 @!p0 $0x1082;
	s9 =	sld [smem:$0x3FB8]  }
0x2f: {  	lr =	sadd.s32 s0, s3;
	s0 =	sld [smem:$0x3FAF]  }
0x30: {  	s3 =	sld [smem:$0x3FB2]  }
0x31: {  	[smem:$0x3FBB] =	sst s10  }
0x32: {  	s10 =	sld [smem:$0x3FB9];
	_ =	sdelay $0x3  }
0x33: {  	p0 =	seq.s32 s10, $0x1;
	s10 =	sld [smem:$0x3FBB];
	_ =	sdelay $0x3  }
0x34: {  	[smem:$0x3FBB] =	sst s10  }
0x35: {  	s10 =	sld [smem:$0x3FBA];
	_ =	sdelay $0x3  }
0x36: {  	p1 =	seq.s32 s10, $0x1;
	s10 =	sld [smem:$0x3FBB];
	_ =	sdelay $0x3  }
0x37: {  	[smem:$0x3FBB] =	sst s10  }
0x38: {  	s10 =	sld [smem:$0x3FBC]  }
0x39: {  	_ = 	snop;
	(pc) =	sbr.ind lr, $3  }
0x3a: {  	_ = 	snop  }
0x3b: {  	_ = 	snop  }
0x3c: {  	p2 =	seq.s32 s10, $0x1;
	s10 =	sld [smem:$0x3FBB]  }
0x3d: {  	_ =	shalt  }
0x3e: {  	_ =	shalt  }
0x3f: {  	_ =	shalt  }
0x40: {  	_ =	shalt  }
0x41: {  	_ =	shalt  }
0x42: {  	_ =	shalt  }
0x43: {  	_ =	shalt  }
0x44: {  	_ =	shalt  }
0x45: {  	_ =	shalt  }
0x46: {  	_ =	shalt  }
0x47: {  	_ =	shalt  }
0x48: {  	_ =	shalt  }
0x49: {  	_ =	shalt  }
0x4a: {  	_ =	shalt  }
0x4b: {  	_ =	shalt  }
0x4c: {  	_ =	shalt  }
0x4d: {  	_ =	shalt  }
0x4e: {  	_ =	shalt  }
0x4f: {  	_ =	shalt  }
0x50: {  	_ =	shalt  }
0x51: {  	_ =	shalt  }
0x52: {  	_ =	shalt  }
0x53: {  	_ =	shalt  }
0x54: {  	_ =	shalt  }
0x55: {  	_ =	shalt  }
0x56: {  	_ =	shalt  }
0x57: {  	_ =	shalt  }
0x58: {  	_ =	shalt  }
0x59: {  	_ =	shalt  }
0x5a: {  	_ =	shalt  }
0x5b: {  	_ =	shalt  }
0x5c: {  	_ =	shalt  }
0x5d: {  	_ =	shalt  }
0x5e: {  	_ =	shalt  }
0x5f: {  	_ =	shalt  }
0x60: {  	_ =	shalt  }
0x61: {  	_ =	shalt  }
0x62: {  	_ =	shalt  }
0x63: {  	_ =	shalt  }
0x64: {  	_ =	shalt  }
0x65: {  	_ =	shalt  }
0x66: {  	_ =	shalt  }
0x67: {  	_ =	shalt  }
0x68: {  	_ =	shalt  }
0x69: {  	_ =	shalt  }
0x6a: {  	_ =	shalt  }
0x6b: {  	_ =	shalt  }
0x6c: {  	_ =	shalt  }
0x6d: {  	_ =	shalt  }
0x6e: {  	_ =	shalt  }
0x6f: {  	_ =	shalt  }
0x70: {  	_ =	shalt  }
0x71: {  	_ =	shalt  }
0x72: {  	_ =	shalt  }
0x73: {  	_ =	shalt  }
0x74: {  	_ =	shalt  }
0x75: {  	_ =	shalt  }
0x76: {  	_ =	shalt  }
0x77: {  	_ =	shalt  }
0x78: {  	_ =	shalt  }
0x79: {  	_ =	shalt  }
0x7a: {  	_ =	shalt  }
0x7b: {  	_ =	shalt  }
0x7c: {  	_ =	shalt  }
0x7d: {  	_ =	shalt  }
0x7e: {  	_ =	shalt  }
0x7f: {  	_ =	shalt  }
0x80: {  	_ =	shalt  }
0x81: {  	_ =	shalt  }
0x82: {  	_ =	shalt  }
0x83: {  	_ =	shalt  }
0x84: {  	_ =	shalt  }
0x85: {  	_ =	shalt  }
0x86: {  	_ =	shalt  }
0x87: {  	_ =	shalt  }
.Lfunc_end0:
.L_simem_size_0:
called_computation_lowered:
.L_overlay_start_0:
0x88: {  	s2 =	sld [smem:$0x3FD9]  }
0x89: {  	s3 =	sld [smem:$0x3FFE];
	_ =	sdelay $0x1  }
0x8a: {  	s1 =	srdreg.scid  }
0x8b: {  	s0 =	sand.u32 $0x1, s1  }
0x8c: {  	s18 =	sshll.u32 s0, $0xA;
	s2 =	sadd.s32 s3, s2  }
0x8d: {  	s2 =	sadd.s32 s2, s18  }
0x8e: {  	[smem:$0x3FC7] =	sst s2  }
0x8f: {  	_ = 	snop  }
0x90: {  	s2 =	sld [smem:$0x3FC9]  }
0x91: {  	s19 =	sld [smem:$0x3FD0];
	(tm) =	ssettm $0x1  }
0x92: {  	s4 =	sld [smem:$0x3FFB];
	_ =	sdelay $0x3  }
0x93: {  	_ =	strace s4  }
0x94: {  	s4 =	sld [smem:$0x3FFC];
	_ =	sdelay $0x3  }
0x95: {  	_ =	strace s4  }
0x96: {  	s4 =	sld [smem:$0x3FFD];
	_ =	sdelay $0x3  }
0x97: {  	_ =	strace s4  }
0x98: {  	_ =	strace $0x8FFFFFFF  }
0x99: {  	s20 =	sld [smem:$0x3FDB];
	_ =	sdelay $0x1  }
0x9a: {  	s5 =	simm.s32 $_scs_section_size  }
0x9b: {  	s6 =	simm.s32 $_size__tile_overlayer_lowered;
	s7 =	simm.s32 $_tile_overlayer_lowered  }
0x9c: {  	s23 =	simm.s32 $0x1BFF;
	s22 =	sshll.u32 s7, $0x1;
	s4 =	sadd.s32 s5, s20  }
0x9d: {  	s8 =	simm.s32 $0x0;
	s21 =	sshll.u32 s6, $0x1;
	s6 =	sadd.s32 s22, s4  }
0x9e: {  	[timem:s8], [sflag:s23] =	dma.local [hbm:s6], s21  }
0x9f: {  	_ =	swait.ge [sflag:s23], s21  }
0xa0: {  	s5 =	ssub.s32 $0x0, s21;
	[sflag:s23] =	ssyncset.done $0x0  }
0xa1: {  	[sflag:s23] =	ssyncadd.s32 s5;
	_ =	sdelay $0x1  }
0xa2: {  	s24 =	simm.s32 $0x1B8B  }
0xa3: {  	_ =	swait.ge [sflag:s24], $0x1  }
0xa4: {  	[sflag:s24] =	ssyncset.done $0x0  }
0xa5: {  	s25 =	simm.s32 $0x1B8E;
	[sflag:s24] =	ssyncadd.s32 $0xFFFFFFFF  }
0xa6: {  	s26 =	simm.s32 $execute0_lowered;
	[smem:$0x3FD2] =	sst s25  }
0xa7: {  	s5 =	sshll.u32 s26, $0x1;
	_ =	strace $0x80000046;
	[dreg:$0x1] =	wrdreg $0xFFFFFFFF  }
0xa8: {  	s28 =	simm.s32 $_size_execute0_lowered;
	s4 =	sadd.s32 s4, s5;
	[dreg:$0x0] =	wrdreg $0x0  }
0xa9: {  	s5 =	sshll.u32 s28, $0x1;
	[dreg:$0x2] =	wrdreg s4  }
0xaa: {  	[dreg:$0x3] =	wrdreg s5  }
0xab: {  	[dreg:$0x4] =	wrdreg $0xC0  }
0xac: {  	_ =	task [dreg:s8], $0x5FFFF  }
0xad: {  	[dreg:$0x1] =	wrdreg $0xFFFFFFFF  }
0xae: {  	[dreg:$0x0] =	wrdreg $0x60  }
0xaf: {  	[dreg:$0x2] =	wrdreg s2  }
0xb0: {  	[dreg:$0x3] =	wrdreg s19  }
0xb1: {  	[dreg:$0x4] =	wrdreg $0x18C000  }
0xb2: {  	[dreg:$0x5] =	wrdreg $0x9  }
0xb3: {  	_ =	task.clear_ibuf [dreg:s8], $0x6FFFF;
	_ =	strace $0x90000046  }
0xb4: {  	s29 =	simm.s32 $0x9;
	_ =	strace $0x80000048  }
0xb5: {  	_ =	swait.ge [sflag:s29], $0x1  }
0xb6: {  	[sflag:s29] =	ssyncadd.s32 $0xFFFFFFFF  }
0xb7: {  	_ =	strace $0x90000048  }
0xb8: {  	_ =	sfence  }
0xb9: {  	s30 =	sld [smem:$0x0];
	_ =	sdelay $0x2  }
0xba: {  	s31 =	sshll.u32 s1, $0xD;
	s1 =	sshrl.u32 s1, $0x2  }
0xbb: {  	s3 =	sand.u32 $0x4000, s31;
	s1 =	sadd.s32 s1, s30  }
0xbc: {  	s0 =	sor.u32 s3, s0;
	s1 =	sshll.u32 s1, $0x11  }
0xbd: {  	s0 =	sor.u32 s1, s0  }
0xbe: {  	s0 =	sadd.s32 $0x8F2B, s0  }
0xbf: {  	[sflag:s0] =	ssyncadd.remote.s32 $0x1  }
0xc0: {  	_ =	sfence.sel $0xFFFF  }
0xc1: {  	[dreg:$0x0] =	wrdreg $0xFFFFFFFF;
	(pc) =	sbr.abs _section_cstart, $3  }
0xc2: {  	[dreg:$0x1] =	wrdreg $0xFFFFFFFF  }
0xc3: {  	_ =	task.clear_ibuf [dreg:s8], $0x2FFFF;
	_ =	strace $0x9FFFFFFF  }
0xc4: {  	(tm) =	ssettm $0x7FFFFFFF  }
0xc5: {  	_ =	shalt  }
tec
execute0_lowered:
.L_overlay_start_1:
0x0: {  	(tag) =	ssettag $0x1  }
0x1: {  	s0 =	rddreg [dreg:$0x0]  }
0x2: {  	s2 =	rddreg [dreg:$0x1];
	s3 =	srdreg.scid  }
0x3: {  	s1 =	rddreg [dreg:$0x2];
	s9 =	stileid.u32;
	s31 =	simm.s32 $0xCC00  }
0x4: {  	s28 =	simm.s32 $0x4;
	s30 =	simm.s32 $0xA;
	s10 =	simm.s32 $0xD  }
0x5: {  	s11 =	simm.s32 $0xE;
	s12 =	simm.s32 $0xF;
	s13 =	simm.s32 $0x0  }
0x6: {  	s4 =	sand.u32 $0x1, s3;
	s3 =	simm.s32 $0x0;
	s17 =	sshll.u32 s9, $0x1  }
0x7: {  	s7 =	sadd.s32 $0x1680, s0;
	s18 =	sadd.s32 $0x1000, s0;
	p0 =	seq.s32 s9, $0x1  }
0x8: {  	p2 =	sgt.u32 s9, $0x1;
	s5 =	ssub.s32 $0x2, s4;
	[smem:$0x7FF] =	sst s3  }
0x9: {  	s4 =	sor.u32 s4, s17;
	p1 =	sne.s32 @!p0 s9, $0x0;
	s9 =	simm.s32 $0xC  }
0xa: {  	_ =	strace $0x80000047;
	[dreg:$0x4] =	wrdreg s7;
	s19 =	sshll.u32 s4, $0x7  }
0xb: {  	v0 =	vimm.s32 $0xEFCDAB89;
	v1 =	vimm.s32 $0x67452301;
	[dreg:$0x5] =	wrdreg s18;
	s4 =	sshll.u32 s4, $0xE;
	s7 =	sadd.s32 s0, s19  }
0xc: {  	v0 =	vunpack.c.l.s4.s8 v0;
	v1 =	vunpack.c.l.s4.s8 v1;
	s0 =	sadd.s32 $0x1D00, s0;
	s8 =	sadd.s32 s2, s4;
	[dreg:$0x6] =	wrdreg s7  }
0xd: {  	v2 =	vimm.f32 $1.800000000e+02;
	s6 =	sshrl.u32 s5, $0x1;
	[dreg:$0x7] =	wrdreg s0;
	s20 =	sadd.s32 $0x800, s8  }
0xe: {  	vm0 =	vcmask $0x300;
	v0 =	vunpack.c.0.s8.s32 v0;
	v1 =	vunpack.c.0.s8.s32 v1;
	p1 =	por p1, p0;
	s21 =	sadd.s32 $0x1000, s8;
	[dreg:$0x8] =	wrdreg s20  }
0xf: {  	vm1 =	vcmask $0xB08;
	vm2 =	vcmask $0x1310;
	v2 =	vsel vm0, $0x42B40000, v2;
	s5 =	ssub.s32 s5, s6;
	s22 =	sadd.s32 $0x1800, s8;
	[dreg:$0x9] =	wrdreg s21  }
0x10: {  	s6 =	sadd.s32 $0x3400, s1;
	s23 =	sadd.s32 $0x2000, s8;
	v0 =	vcombine.low v1, v0;
	v1 =	vsel vm1, $0x42B40000, v2;
	v2 =	vimm.f32 $2.722222210e-01;
	[dreg:$0xa] =	wrdreg s22  }
0x11: {  	vm3 =	vcmask $0x1B18;
	vm4 =	vcmask $0x2320;
	s19 =	simm.s32 $0x400;
	s24 =	sadd.s32 $0x2800, s8;
	[dreg:$0xb] =	wrdreg s23;
	v2 =	vsel vm0, $0x3F0B60B6, v2  }
0x12: {  	vm13 =	vcmask $0x2B28;
	s2 =	simm.s32 $0x10C00;
	s25 =	sadd.s32 $0x3000, s8;
	[dreg:$0xc] =	wrdreg s24;
	v1 =	vsel vm2, $0x42B40000, v1;
	v2 =	vsel vm1, $0x3F0B60B6, v2  }
0x13: {  	vm14 =	vcmask $0x3330;
	s4 =	simm.s32 $0x6;
	s26 =	sadd.s32 $0x3800, s8;
	[dreg:$0xd] =	wrdreg s25;
	v1 =	vsel vm3, $0x42B40000, v1;
	v2 =	vsel vm2, $0x3F0B60B6, v2  }
0x14: {  	v3 =	vlaneseq.u32;
	s29 =	smax.u32 s5, $0x1;
	s0 =	sshrl.u32 @p0 s6, $0x3;
	[dreg:$0xe] =	wrdreg s26;
	v1 =	vsel vm4, $0x42B40000, v1;
	v2 =	vsel vm3, $0x3F0B60B6, v2  }
0x15: {  	vm15 =	vcmask $0x3B38;
	s5 =	simm.s32 $0x7;
	s6 =	simm.s32 $0x8;
	[dreg:$0xf] =	wrdreg s29;
	v1 =	vsel vm13, $0x42B40000, v1;
	v2 =	vsel vm4, $0x3F0B60B6, v2  }
0x16: {  	v5 =	vand.u32 $0x1, v3;
	s7 =	simm.s32 $0x9;
	[dreg:$0x10] =	wrdreg s0;
	s0 =	sshrl.u32 @!p1 s1, $0x3;
	v4 =	vsel vm14, $0x42B40000, v1;
	v1 =	vsel vm13, $0x3F0B60B6, v2  }
0x17: {  	v6 =	vimm.s32 $0x0;
	s20 =	simm.s32 $0x2;
	s21 =	simm.s32 $0x3;
	s22 =	simm.s32 $0x80;
	v3 =	vsel vm14, $0x3F0B60B6, v1;
	v1 =	vmul.u32 $0x68, v5  }
0x18: {  	s24 =	simm.s32 $0xC00;
	s26 =	simm.s32 $0x4C00;
	s25 =	simm.s32 $0x14C00;
	v0 =	vand.u32 $0xF, v0;
	v2 =	vsel vm15, $0x42B40000, v4;
	v4 =	vimm.s32 $0x1  }
0x19: {  	s23 =	simm.s32 $0x5;
	[dreg:$0x11] =	wrdreg s0;
	s0 =	simm.s32 $0xB;
	v5 =	vmul.u32 $0x80, v5;
	v3 =	vsel vm15, $0x3F0B60B6, v3;
	v7 =	vadd.s32 $0xFFFFFFFF, v1  }
.LBB2_1:
0x1a: {  	s15 =	rddreg [dreg:$0x4]  }
0x1b: {  	s14 =	simm.s32 @p0 $0x1C41;
	s16 =	rddreg [dreg:$0x10]  }
0x1c: {  	[spmem:s16], [sflag:s14] =	dma.local @p0 [hbm:s15], $0x680  }
0x1d: {  	s15 =	rddreg [dreg:$0x5]  }
0x1e: {  	s14 =	simm.s32 @!p1 $0x1C01;
	s16 =	rddreg [dreg:$0x11]  }
0x1f: {  	[spmem:s16], [sflag:s14] =	dma.local @!p1 [hbm:s15], $0x680  }
0x20: {  	s14 =	rddreg [dreg:$0x6]  }
0x21: {  	[tilespmem:s3], [sflag:$0x2] =	stream.linear.gather [hbm4b:s14+s3], $0x400, $0x38;
	[tilespmem:$0x19280] =	vst v63  }
0x22: {  	s29 =	rddreg [dreg:$0x7]  }
0x23: {  	[tilespmem:s19], [sflag:$0x3] =	stream.linear.gather [hbm4b:s29+s3], $0x400, $0x38;
	[tilespmem:$0x19280] =	vst v63  }
0x24: {  	_ =	swait.ge [sflag:s20], $0x400  }
0x25: {  	v8 =	vor.u32 s3, v0;
	[sflag:s20] =	ssyncset.done $0x0  }
0x26: {  	[sflag:s20] =	ssyncadd.s32 $0xFFFFFC00  }
0x27: {  	_ =	swait.ge [sflag:s21], $0x400  }
0x28: {  	[sflag:s21] =	ssyncset.done $0x0  }
0x29: {  	[sflag:s21] =	ssyncadd.s32 $0xFFFFFC00  }
0x2a: {  	v10 =	vld.idx.msk [tilespmem:v8+s3+$0x0], $0xffff;
	_ =	sdelay $0x4  }
0x2b: {  	v8 =	vadd.f32 v2, v10;
	_ =	sdelay $0x1  }
0x2c: {  	v8 =	vmul.f32 v3, v8;
	_ =	sdelay $0x1  }
0x2d: {  	v8 =	vtrunc.f32 v8  }
0x2e: {  	v11 =	vcvt.f32.s32 v8;
	_ =	sdelay $0x1  }
0x2f: {  	v12 =	vadd.s32 $0x1, v11  }
0x30: {  	vm0 =	vgt.s32 v12, $0x0  }
0x31: {  	v9 =	vnsel vm0, $0x0, v12  }
0x32: {  	v8 =	vmin.u32 v9, $0x63  }
0x33: {  	v13 =	vmax.u32 v8, $0x1  }
0x34: {  	v13 =	vsub.s32 v13, v4  }
0x35: {  	v9 =	vmin.u32 v9, $0x62;
	v13 =	vor.u32 v5, v13  }
0x36: {  	v9 =	vor.u32 v5, v9;
	_ =	sdelay $0x3  }
0x37: {  	v13 =	vld.idx.msk [tilespmem:v13+s19+$0x0], $0xffff  }
0x38: {  	v14 =	vld.idx.msk [tilespmem:v9+s19+$0x0], $0xffff;
	_ =	sdelay $0x2  }
0x39: {  	s14 =	simm.s32 $0x10  }
0x3a: {  	s18 =	simm.s32 $0x0;
	vm0 =	vlt.u32 v11, $0x7FFFFFFF;
	v9 =	vor.u32 s14, v0;
	vm1 =	vlt.f32 v10, v13  }
0x3b: {  	s17 =	simm.s32 $0x0;
	s15 =	simm.s32 $0x40;
	s16 =	simm.s32 $0x80;
	vm2 =	vge.f32 v10, v14;
	vm0 =	vmand vm1, vm0;
	vm1 =	vlt.s32 v12, $0x63  }
.LBB2_2:
0x3c: {  	p3 =	sne.s32 s16, $0xFC0;
	vm1 =	vmand vm2, vm1;
	v10 =	vsel vm0, v7, v1;
	s29 =	sand.u32 $0xE00, s18;
	s18 =	smov.u32 s15  }
0x3d: {  	s15 =	sand.u32 $0x70, s17;
	s17 =	smov.u32 s14;
	v11 =	vsel vm1, $0x1, v6;
	v8 =	vadd.s32 v8, v10;
	s29 =	sshrl.u32 s29, $0x2  }
0x3e: {  	v8 =	vadd.s32 v11, v8;
	s29 =	sor.u32 s15, s29;
	s15 =	smov.u32 s16  }
0x3f: {  	[tilespmem:s29+$0x800] =	vst v8  }
0x40: {  	v10 =	vld.idx.msk [tilespmem:v9+s3+$0x0], $0xffff;
	_ =	sdelay $0x5  }
0x41: {  	v8 =	vadd.f32 v2, v10;
	_ =	sdelay $0x1  }
0x42: {  	v8 =	vmul.f32 v3, v8;
	_ =	sdelay $0x1  }
0x43: {  	v8 =	vtrunc.f32 v8  }
0x44: {  	v11 =	vcvt.f32.s32 v8;
	_ =	sdelay $0x1  }
0x45: {  	v12 =	vadd.s32 $0x1, v11  }
0x46: {  	vm0 =	vgt.s32 v12, $0x0  }
0x47: {  	v9 =	vnsel vm0, $0x0, v12  }
0x48: {  	v8 =	vmin.u32 v9, $0x63  }
0x49: {  	v13 =	vmax.u32 v8, $0x1  }
0x4a: {  	v13 =	vsub.s32 v13, v4  }
0x4b: {  	v9 =	vmin.u32 v9, $0x62;
	v13 =	vor.u32 v5, v13  }
0x4c: {  	v9 =	vor.u32 v5, v9;
	_ =	sdelay $0x3  }
0x4d: {  	v13 =	vld.idx.msk [tilespmem:v13+s19+$0x0], $0xffff  }
0x4e: {  	v14 =	vld.idx.msk [tilespmem:v9+s19+$0x0], $0xffff;
	_ =	sdelay $0x1  }
.Ltmp0:
0x4f: {  	(pc) =	sbr.rel @p3 .LBB2_2-.Ltmp0, $4  }
0x50: {  	_ = 	snop  }
0x51: {  	s14 =	sadd.s32 $0x10, s14  }
0x52: {  	vm0 =	vlt.u32 v11, $0x7FFFFFFF;
	v9 =	vor.u32 s14, v0;
	vm1 =	vlt.f32 v10, v13  }
0x53: {  	s16 =	sadd.s32 $0x40, s16;
	vm0 =	vmand vm1, vm0;
	vm1 =	vlt.s32 v12, $0x63;
	vm2 =	vge.f32 v10, v14  }
0x54: {  	vm1 =	vmand vm2, vm1;
	v10 =	vsel vm0, v7, v1;
	s16 =	sand.u32 $0xE00, s18  }
0x55: {  	s17 =	sand.u32 $0x70, s17;
	v11 =	vsel vm1, $0x1, v6;
	v8 =	vadd.s32 v8, v10;
	s16 =	sshrl.u32 s16, $0x2  }
0x56: {  	s16 =	sor.u32 s17, s16;
	v8 =	vadd.s32 v11, v8  }
0x57: {  	[tilespmem:s16+$0x800] =	vst v8  }
0x58: {  	v8 =	vld.idx.msk [tilespmem:v9+s3+$0x0], $0xffff;
	_ =	sdelay $0x4  }
0x59: {  	v9 =	vadd.f32 v2, v8;
	_ =	sdelay $0x1  }
0x5a: {  	v9 =	vmul.f32 v3, v9;
	_ =	sdelay $0x1  }
0x5b: {  	v9 =	vtrunc.f32 v9  }
0x5c: {  	v9 =	vcvt.f32.s32 v9;
	_ =	sdelay $0x1  }
0x5d: {  	v61 =	vadd.s32 $0x1, v9  }
0x5e: {  	vm11 =	vgt.s32 v61, $0x0  }
0x5f: {  	v62 =	vnsel vm11, $0x0, v61  }
0x60: {  	v12 =	vmin.u32 v62, $0x63  }
0x61: {  	v13 =	vmax.u32 v12, $0x1  }
0x62: {  	v13 =	vsub.s32 v13, v4  }
0x63: {  	v11 =	vmin.u32 v62, $0x62;
	v13 =	vor.u32 v5, v13  }
0x64: {  	v11 =	vor.u32 v5, v11;
	_ =	sdelay $0x3  }
0x65: {  	v13 =	vld.idx.msk [tilespmem:v13+s19+$0x0], $0xffff  }
0x66: {  	v11 =	vld.idx.msk [tilespmem:v11+s19+$0x0], $0xffff;
	_ =	sdelay $0x3  }
0x67: {  	vm12 =	vlt.u32 v9, $0x7FFFFFFF;
	vm13 =	vlt.f32 v8, v13  }
0x68: {  	vm14 =	vlt.s32 v61, $0x63;
	vm15 =	vge.f32 v8, v11;
	vm0 =	vmand vm13, vm12  }
0x69: {  	s15 =	sand.u32 $0xE00, s15;
	vm1 =	vmand vm15, vm14;
	v8 =	vsel vm0, v7, v1  }
0x6a: {  	s14 =	sand.u32 $0x70, s14;
	s15 =	sshrl.u32 s15, $0x2;
	v63 =	vsel vm1, $0x1, v6;
	v8 =	vadd.s32 v12, v8  }
0x6b: {  	s14 =	sor.u32 s14, s15;
	v8 =	vadd.s32 v63, v8  }
0x6c: {  	[tilespmem:s14+$0x800] =	vst v8;
	s14 =	simm.s32 @!p2 $0x1  }
0x6d: {  	_ =	swait.ge @!p2 [sflag:s14], $0x680  }
0x6e: {  	[sflag:s14] =	ssyncset.done @!p2 $0x0  }
0x6f: {  	[sflag:s14] =	ssyncadd.s32 @!p2 $0xFFFFF980  }
0x70: {  	s17 =	simm.s32 $0x800;
	[bflag:$0x0] =	sbarrier.arrive $0xFFFF  }
0x71: {  	[tilespmem:s24], [sflag:$0x4] =	stream.indirect.gather [spmem:s1], $0x80, s17, s22, $0xb8;
	[tilespmem:$0x19280] =	vst v63  }
0x72: {  	s18 =	simm.s32 $0x880  }
0x73: {  	[tilespmem:s26], [sflag:$0x5] =	stream.indirect.gather [spmem:s1], $0x80, s18, s22, $0xb8;
	[tilespmem:$0x19280] =	vst v63  }
0x74: {  	s29 =	simm.s32 $0x900;
	s15 =	simm.s32 $0x8C00  }
0x75: {  	[tilespmem:s15], [sflag:$0x6] =	stream.indirect.gather [spmem:s1], $0x80, s29, s22, $0xb8;
	[tilespmem:$0x19280] =	vst v63  }
0x76: {  	s16 =	simm.s32 $0x980  }
0x77: {  	[tilespmem:s31], [sflag:$0x7] =	stream.indirect.gather [spmem:s1], $0x80, s16, s22, $0xb8;
	[tilespmem:$0x19280] =	vst v63  }
0x78: {  	s17 =	simm.s32 $0xA00  }
0x79: {  	[tilespmem:s2], [sflag:$0x8] =	stream.indirect.gather [spmem:s1], $0x80, s17, s22, $0xb8;
	[tilespmem:$0x19280] =	vst v63  }
0x7a: {  	s18 =	simm.s32 $0xA80  }
0x7b: {  	[tilespmem:s25], [sflag:$0x9] =	stream.indirect.gather [spmem:s1], $0x80, s18, s22, $0xb8;
	[tilespmem:$0x19280] =	vst v63  }
0x7c: {  	_ =	swait.ge [sflag:s28], $0x4000  }
0x7d: {  	[sflag:s28] =	ssyncset.done $0x0  }
0x7e: {  	[sflag:s28] =	ssyncadd.s32 $0xFFFFC000  }
0x7f: {  	[hbm4b:s8+s3] =	stream.linear.scatter [tilespmem:s24], [sflag:$0xA], $0x4000, $0x38;
	[tilespmem:$0x19280] =	vst v63  }
0x80: {  	_ =	swait.ge [sflag:s30], $0x4000  }
0x81: {  	[sflag:s30] =	ssyncset.done $0x0  }
0x82: {  	s29 =	simm.s32 $0xB00;
	[sflag:s30] =	ssyncadd.s32 $0xFFFFC000  }
0x83: {  	[tilespmem:s24], [sflag:$0x4] =	stream.indirect.gather [spmem:s1], $0x80, s29, s22, $0xb8;
	[tilespmem:$0x19280] =	vst v63  }
0x84: {  	_ =	swait.ge [sflag:s23], $0x4000  }
0x85: {  	[sflag:s23] =	ssyncset.done $0x0  }
0x86: {  	s16 =	rddreg [dreg:$0x8];
	[sflag:s23] =	ssyncadd.s32 $0xFFFFC000  }
0x87: {  	[hbm4b:s16+s3] =	stream.linear.scatter [tilespmem:s26], [sflag:$0xB], $0x4000, $0x38;
	[tilespmem:$0x19280] =	vst v63  }
0x88: {  	_ =	swait.ge [sflag:s0], $0x4000  }
0x89: {  	[sflag:s0] =	ssyncset.done $0x0  }
0x8a: {  	s17 =	simm.s32 $0xB80;
	[sflag:s0] =	ssyncadd.s32 $0xFFFFC000  }
0x8b: {  	[tilespmem:s26], [sflag:$0x5] =	stream.indirect.gather [spmem:s1], $0x80, s17, s22, $0xb8;
	[tilespmem:$0x19280] =	vst v63  }
0x8c: {  	_ =	swait.ge [sflag:s4], $0x4000  }
0x8d: {  	[sflag:s4] =	ssyncset.done $0x0  }
0x8e: {  	s18 =	rddreg [dreg:$0x9];
	[sflag:s4] =	ssyncadd.s32 $0xFFFFC000  }
0x8f: {  	[hbm4b:s18+s3] =	stream.linear.scatter [tilespmem:s15], [sflag:$0xC], $0x4000, $0x38;
	[tilespmem:$0x19280] =	vst v63  }
0x90: {  	_ =	swait.ge [sflag:s5], $0x4000  }
0x91: {  	[sflag:s5] =	ssyncset.done $0x0  }
0x92: {  	s29 =	rddreg [dreg:$0xa];
	[sflag:s5] =	ssyncadd.s32 $0xFFFFC000  }
0x93: {  	[hbm4b:s29+s3] =	stream.linear.scatter [tilespmem:s31], [sflag:$0xD], $0x4000, $0x38;
	[tilespmem:$0x19280] =	vst v63  }
0x94: {  	_ =	swait.ge [sflag:s6], $0x4000  }
0x95: {  	[sflag:s6] =	ssyncset.done $0x0  }
0x96: {  	s15 =	rddreg [dreg:$0xb];
	[sflag:s6] =	ssyncadd.s32 $0xFFFFC000  }
0x97: {  	[hbm4b:s15+s3] =	stream.linear.scatter [tilespmem:s2], [sflag:$0xE], $0x4000, $0x38;
	[tilespmem:$0x19280] =	vst v63  }
0x98: {  	_ =	swait.ge [sflag:s7], $0x4000  }
0x99: {  	[sflag:s7] =	ssyncset.done $0x0  }
0x9a: {  	s16 =	rddreg [dreg:$0xc];
	[sflag:s7] =	ssyncadd.s32 $0xFFFFC000  }
0x9b: {  	[hbm4b:s16+s3] =	stream.linear.scatter [tilespmem:s25], [sflag:$0xF], $0x4000, $0x38;
	[tilespmem:$0x19280] =	vst v63  }
0x9c: {  	_ =	swait.ge [sflag:s28], $0x4000  }
0x9d: {  	[sflag:s28] =	ssyncset.done $0x0  }
0x9e: {  	s17 =	rddreg [dreg:$0xd];
	[sflag:s28] =	ssyncadd.s32 $0xFFFFC000  }
0x9f: {  	[hbm4b:s17+s3] =	stream.linear.scatter [tilespmem:s24], [sflag:$0xA], $0x4000, $0x38;
	[tilespmem:$0x19280] =	vst v63  }
0xa0: {  	_ =	swait.ge [sflag:s23], $0x4000  }
0xa1: {  	[sflag:s23] =	ssyncset.done $0x0  }
0xa2: {  	s18 =	rddreg [dreg:$0xe];
	[sflag:s23] =	ssyncadd.s32 $0xFFFFC000  }
0xa3: {  	[hbm4b:s18+s3] =	stream.linear.scatter [tilespmem:s26], [sflag:$0xB], $0x4000, $0x38;
	[tilespmem:$0x19280] =	vst v63  }
0xa4: {  	_ =	swait.ge [sflag:s9], $0x4000  }
0xa5: {  	[sflag:s9] =	ssyncset.done $0x0  }
0xa6: {  	[sflag:s9] =	ssyncadd.s32 $0xFFFFC000  }
0xa7: {  	_ =	swait.ge [sflag:s10], $0x4000  }
0xa8: {  	[sflag:s10] =	ssyncset.done $0x0  }
0xa9: {  	[sflag:s10] =	ssyncadd.s32 $0xFFFFC000  }
0xaa: {  	_ =	swait.ge [sflag:s11], $0x4000  }
0xab: {  	[sflag:s11] =	ssyncset.done $0x0  }
0xac: {  	[sflag:s11] =	ssyncadd.s32 $0xFFFFC000  }
0xad: {  	_ =	swait.ge [sflag:s12], $0x4000  }
0xae: {  	[sflag:s12] =	ssyncset.done $0x0  }
0xaf: {  	[sflag:s12] =	ssyncadd.s32 $0xFFFFC000  }
0xb0: {  	_ =	swait.ge [sflag:s30], $0x4000  }
0xb1: {  	[sflag:s30] =	ssyncset.done $0x0  }
0xb2: {  	[sflag:s30] =	ssyncadd.s32 $0xFFFFC000  }
0xb3: {  	_ =	swait.ge [sflag:s0], $0x4000  }
0xb4: {  	s13 =	sadd.s32 $0x1, s13;
	s29 =	rddreg [dreg:$0xf]  }
0xb5: {  	p3 =	sne.s32 s13, s29  }
.Ltmp1:
0xb6: {  	_ = 	snop;
	(pc) =	sbr.rel @p3 .LBB2_1-.Ltmp1, $3  }
0xb7: {  	_ =	sdelay $0x1  }
0xb8: {  	[sflag:s0] =	ssyncset.done $0x0  }
0xb9: {  	[sflag:s0] =	ssyncadd.s32 $0xFFFFC000  }
0xba: {  	_ =	sfence.sel $0x180000  }
0xbb: {  	[bflag:$0x0] =	sbarrier.arrive $0xFFFF  }
0xbc: {  	_ =	strace $0x90000047  }
0xbd: {  	s0 =	stileid.u32;
	[bflag:$0x2] =	sbarrier.arrive $0xFFFF  }
0xbe: {  	p0 =	sne.s32 s0, $0x0;
	s0 =	rddreg [dreg:$0x3]  }
0xbf: {  	s0 =	sadd.s32 @!p0 $0x100000, s0  }
0xc0: {  	[sflag:s0] =	ssyncadd.tile.s32 @!p0 $0x1;
	_ =	shalt  }
.Lfunc_end2:
_tile_overlayer_lowered:
.L_overlay_start_2:
0xc1: {  	(tag) =	ssettag $0x2  }
0xc2: {  	s0 =	rddreg [dreg:$0x0];
	s2 =	stileid.u32  }
0xc3: {  	s1 =	rddreg [dreg:$0x1];
	p0 =	sne.s32 s2, $0x0  }
0xc4: {  	s3 =	rddreg [dreg:$0x2];
	[bflag:$0x3] =	sbarrier.arrive $0xFFFF;
	s2 =	simm.s32 @!p0 $0x1C10  }
0xc5: {  	[timem:s3], [sflag:s2] =	dma.local @!p0 [hbm:s0], s1  }
0xc6: {  	s0 =	simm.s32 @!p0 $0x10  }
0xc7: {  	_ =	swait.ge @!p0 [sflag:s0], s1  }
0xc8: {  	s1 =	ssub.s32 @!p0 $0x0, s1;
	[sflag:s0] =	ssyncset.done @!p0 $0x0  }
0xc9: {  	[sflag:s0] =	ssyncadd.s32 @!p0 s1  }
0xca: {  	[bflag:$0x3] =	sbarrier.arrive $0xFFFF  }
0xcb: {  	_ =	shalt  }

</sc_bundles>
